<compile_context>
chip_gen: v7x
topology: tpu7x:2x2x1
jax: 0.10.2.dev20260603
libtpu: 0.0.44.dev20260713+nightly
codegen_flags: <defaults>
</compile_context>

<pallas_src>
import jax
import jax.numpy as jnp
from jax import lax
from jax.experimental import pallas as pl
from jax.experimental.pallas import tpu as pltpu
from jax.experimental.pallas import tpu_sc as plsc

_NUM_ANCS = 9
_PRE = 6000
_POST = 300
_IOU_T = 0.7
_HW = 4096
_N = _HW * _NUM_ANCS
_ROWS = _N // 128
_TM = 512
_NW = 32
_CHUNK = _N // _NW
_CAP = 6144
_CROWS = _CAP // 128


def _mm_body(x_ref, w1_ref, b1_ref, wh_ref, bh_ref, y_ref):
    h = jnp.dot(x_ref[...], w1_ref[...], preferred_element_type=jnp.float32)
    h = jnp.maximum(h + b1_ref[...], 0.0)
    y = jnp.dot(h, wh_ref[...], preferred_element_type=jnp.float32) + bh_ref[...]
    lane = lax.broadcasted_iota(jnp.int32, (_TM, 128), 1)
    y_ref[...] = jnp.where(lane < 16, jax.nn.sigmoid(y), y)


def _prep_body(s_ref, a0_ref, a1_ref, a2_ref, a3_ref, r0_ref, r1_ref, r2_ref,
               r3_ref, x1_ref, y1_ref, x2_ref, y2_ref, dst_ref):
    a2 = a2_ref[...]
    a3 = a3_ref[...]
    cx = a0_ref[...] + r0_ref[...] * a2
    cy = a1_ref[...] + r1_ref[...] * a3
    w = a2 * jnp.exp(r2_ref[...])
    h = a3 * jnp.exp(r3_ref[...])
    x1_ref[...] = jnp.clip(cx - w * 0.5, 0.0, 1.0)
    y1_ref[...] = jnp.clip(cy - h * 0.5, 0.0, 1.0)
    x2_ref[...] = jnp.clip(cx + w * 0.5, 0.0, 1.0)
    y2_ref[...] = jnp.clip(cy + h * 0.5, 0.0, 1.0)

    bits = lax.bitcast_convert_type(s_ref[...], jnp.int32)
    idx = (lax.broadcasted_iota(jnp.int32, (_ROWS, 128), 0) * 128
           + lax.broadcasted_iota(jnp.int32, (_ROWS, 128), 1))
    tau = jnp.int32(0)
    for b in range(30, -1, -1):
        cand = tau | jnp.int32(1 << b)
        cnt = jnp.sum((bits >= cand).astype(jnp.int32))
        tau = jnp.where(cnt >= _PRE, cand, tau)
    cnt_gt = jnp.sum((bits > tau).astype(jnp.int32))
    tie = bits == tau
    need = _PRE - cnt_gt
    theta = jnp.int32(0)
    for b in range(15, -1, -1):
        cand = theta | jnp.int32(1 << b)
        cnt = jnp.sum((tie & (idx >= cand)).astype(jnp.int32))
        theta = jnp.where(cnt >= need, cand, theta)
    active = (bits > tau) | (tie & (idx >= theta))

    act_f = jnp.where(active, 1.0, 0.0)
    tri_l = (lax.broadcasted_iota(jnp.int32, (_ROWS, _ROWS), 0)
             > lax.broadcasted_iota(jnp.int32, (_ROWS, _ROWS), 1)).astype(jnp.float32)
    tri_u = (lax.broadcasted_iota(jnp.int32, (128, 128), 0)
             < lax.broadcasted_iota(jnp.int32, (128, 128), 1)).astype(jnp.float32)
    row_sum = jnp.sum(act_f, axis=1, keepdims=True)
    row_pre = jnp.dot(tri_l, row_sum, preferred_element_type=jnp.float32)
    lane_pre = jnp.dot(act_f, tri_u, preferred_element_type=jnp.float32)
    prefix = (row_pre + lane_pre).astype(jnp.int32)
    dst_ref[...] = jnp.where(active, prefix, _CAP + idx)


def _sc_compact_body(s_hbm, x1_hbm, y1_hbm, x2_hbm, y2_hbm, dst_hbm,
                     os_hbm, ox1_hbm, oy1_hbm, ox2_hbm, oy2_hbm,
                     sb, xb1, yb1, xb2, yb2, idx_v, sem):
    wid = lax.axis_index("s") * 2 + lax.axis_index("c")
    base_in = wid * _CHUNK
    rows = _CHUNK // 128
    pltpu.sync_copy(s_hbm.at[pl.ds(base_in, _CHUNK)], sb)
    pltpu.sync_copy(x1_hbm.at[pl.ds(base_in, _CHUNK)], xb1)
    pltpu.sync_copy(y1_hbm.at[pl.ds(base_in, _CHUNK)], yb1)
    pltpu.sync_copy(x2_hbm.at[pl.ds(base_in, _CHUNK)], xb2)
    pltpu.sync_copy(y2_hbm.at[pl.ds(base_in, _CHUNK)], yb2)
    pltpu.sync_copy(dst_hbm.at[pl.ds(base_in, _CHUNK)], idx_v)

    copies = []
    for buf, out in ((sb, os_hbm), (xb1, ox1_hbm), (yb1, oy1_hbm),
                     (xb2, ox2_hbm), (yb2, oy2_hbm)):
        copies.append(pltpu.async_copy(buf, out.at[idx_v], sem))
    for c in copies:
        c.wait()


def _nms_body(s_ref, x1_ref, y1_ref, x2_ref, y2_ref,
              ox1_ref, oy1_ref, ox2_ref, oy2_ref, ms_ref, ar_ref):
    pos = (lax.broadcasted_iota(jnp.int32, (_CROWS, 128), 0) * 128
           + lax.broadcasted_iota(jnp.int32, (_CROWS, 128), 1))
    ms_ref[...] = jnp.where(pos < _PRE, s_ref[...], -1.0)
    x1 = x1_ref[...]
    y1 = y1_ref[...]
    x2 = x2_ref[...]
    y2 = y2_ref[...]
    ar_ref[...] = (x2 - x1) * (y2 - y1)

    def zero_body(k, c):
        ox1_ref[k] = 0.0
        oy1_ref[k] = 0.0
        ox2_ref[k] = 0.0
        oy2_ref[k] = 0.0
        return c

    lax.fori_loop(0, _POST, zero_body, 0)

    def nms_step(k, c):
        ms = ms_ref[...]
        m = jnp.max(ms)

        @pl.when(m >= 0.0)
        def _():
            bi = jnp.max(jnp.where(ms == m, pos, -1))
            br_ = bi // 128
            bc_ = bi % 128
            lane_eq = lax.broadcasted_iota(jnp.int32, (1, 128), 1) == bc_

            def _pick(ref):
                return jnp.sum(jnp.where(lane_eq, ref[pl.ds(br_, 1), :], 0.0))

            bx1 = _pick(x1_ref)
            by1 = _pick(y1_ref)
            bx2 = _pick(x2_ref)
            by2 = _pick(y2_ref)
            ix1 = jnp.maximum(x1_ref[...], bx1)
            iy1 = jnp.maximum(y1_ref[...], by1)
            ix2 = jnp.minimum(x2_ref[...], bx2)
            iy2 = jnp.minimum(y2_ref[...], by2)
            inter = (jnp.maximum(ix2 - ix1, 0.0) * jnp.maximum(iy2 - iy1, 0.0))
            barea = (bx2 - bx1) * (by2 - by1)
            union = jnp.maximum(barea + ar_ref[...] - inter, 1e-8)
            supp = inter > _IOU_T * union
            ms_ref[...] = jnp.where(supp, -1.0, ms)
            ox1_ref[k] = bx1
            oy1_ref[k] = by1
            ox2_ref[k] = bx2
            oy2_ref[k] = by2

        return c

    lax.fori_loop(0, _POST, nms_step, 0)


def kernel(feats, ancs, ancs_valid, W1, b1, Wc, bc, Wr, br):
    del ancs_valid
    x = feats.reshape(_HW, 1024)

    wh = jnp.zeros((512, 128), jnp.float32)
    bh = jnp.zeros((128,), jnp.float32)
    wh = wh.at[:, 0:_NUM_ANCS].set(Wc)
    bh = bh.at[0:_NUM_ANCS].set(bc)
    for c in range(4):
        wh = wh.at[:, 16 * (c + 1):16 * (c + 1) + _NUM_ANCS].set(Wr[:, c::4])
        bh = bh.at[16 * (c + 1):16 * (c + 1) + _NUM_ANCS].set(br[c::4])

    y = pl.pallas_call(
        _mm_body,
        grid=(_HW // _TM,),
        in_specs=[
            pl.BlockSpec((_TM, 1024), lambda i: (i, 0)),
            pl.BlockSpec((1024, 512), lambda i: (0, 0)),
            pl.BlockSpec((1, 512), lambda i: (0, 0)),
            pl.BlockSpec((512, 128), lambda i: (0, 0)),
            pl.BlockSpec((1, 128), lambda i: (0, 0)),
        ],
        out_specs=pl.BlockSpec((_TM, 128), lambda i: (i, 0)),
        out_shape=jax.ShapeDtypeStruct((_HW, 128), jnp.float32),
    )(x, W1, b1.reshape(1, 512), wh, bh.reshape(1, 128))

    cls_pred = y[:, 0:_NUM_ANCS]
    reg_planes = [y[:, 16 * (c + 1):16 * (c + 1) + _NUM_ANCS] for c in range(4)]

    scores = cls_pred.reshape(_ROWS, 128)
    ancs_flat = ancs.reshape(_N, 4)
    anc_planes = [ancs_flat[:, c].reshape(_ROWS, 128) for c in range(4)]
    reg2 = [p.reshape(_ROWS, 128) for p in reg_planes]

    plane = jax.ShapeDtypeStruct((_ROWS, 128), jnp.float32)
    x1p, y1p, x2p, y2p, dst = pl.pallas_call(
        _prep_body,
        in_specs=[pl.BlockSpec(memory_space=pltpu.VMEM)] * 9,
        out_specs=[pl.BlockSpec(memory_space=pltpu.VMEM)] * 5,
        out_shape=[plane] * 4 + [jax.ShapeDtypeStruct((_ROWS, 128), jnp.int32)],
    )(scores, *anc_planes, *reg2)

    mesh = plsc.VectorSubcoreMesh(core_axis_name="c", subcore_axis_name="s")
    flat = jax.ShapeDtypeStruct((_CAP + _N,), jnp.float32)
    sc_compact = pl.kernel(
        _sc_compact_body, mesh=mesh,
        out_type=[flat] * 5,
        scratch_types=(
            [pltpu.VMEM((_CHUNK,), jnp.float32)] * 5
            + [pltpu.VMEM((_CHUNK,), jnp.int32),
               pltpu.SemaphoreType.DMA]
        ),
    )
    comp = sc_compact(scores.reshape(_N), x1p.reshape(_N), y1p.reshape(_N),
                      x2p.reshape(_N), y2p.reshape(_N), dst.reshape(_N))
    cplanes = [a[:_CAP].reshape(_CROWS, 128) for a in comp]

    outs = pl.pallas_call(
        _nms_body,
        in_specs=[pl.BlockSpec(memory_space=pltpu.VMEM)] * 5,
        out_specs=[pl.BlockSpec(memory_space=pltpu.SMEM)] * 4,
        out_shape=[jax.ShapeDtypeStruct((_POST,), jnp.float32)] * 4,
        scratch_shapes=[pltpu.VMEM((_CROWS, 128), jnp.float32)] * 2,
    )(*cplanes)

    proposals = jnp.stack(outs, axis=-1)
    cls_out = cls_pred.reshape(1, 64, 64, _NUM_ANCS)
    reg_out = jnp.stack(reg_planes, axis=-1).reshape(1, 64, 64, _NUM_ANCS, 4)
    return cls_out, reg_out, proposals

# --- scband reference (transcript-rebuilt; emitter-appended) ---
"""Pipeline reference for scband-rpn-78907139162788 (READ-ONLY COPY).

The authoritative reference and input builder live on the scoring server;
editing this copy changes nothing except your own understanding.
"""

import jax, jax.numpy as jnp
import numpy as np

NUM_ANCS = 9
MAX_PRE_NMS = 6000
MAX_POST_NMS = 300
IOU_THRESH = 0.7


def setup_inputs(seed: int = 0) -> dict:
    key = jax.random.key(seed)
    ks = jax.random.split(key, 8)
    feats = jax.random.normal(ks[0], (1, 64, 64, 1024), dtype=jnp.float32)
    ancs = jax.random.uniform(ks[1], (1, 64, 64, NUM_ANCS, 4), dtype=jnp.float32)
    ancs_valid = jnp.ones((1, 64, 64, NUM_ANCS), dtype=jnp.float32)
    W1 = jax.random.normal(ks[2], (1024, 512), dtype=jnp.float32) * 0.01
    b1 = jnp.zeros((512,), dtype=jnp.float32)
    Wc = jax.random.normal(ks[3], (512, NUM_ANCS), dtype=jnp.float32) * 0.01
    bc = jnp.zeros((NUM_ANCS,), dtype=jnp.float32)
    Wr = jax.random.normal(ks[4], (512, NUM_ANCS * 4), dtype=jnp.float32) * 0.01
    br = jnp.zeros((NUM_ANCS * 4,), dtype=jnp.float32)
    return {"feats": feats, "ancs": ancs, "ancs_valid": ancs_valid,
            "W1": W1, "b1": b1, "Wc": Wc, "bc": bc, "Wr": Wr, "br": br}


def apply_offsets(ancs, reg):
    cx = ancs[:, 0] + reg[:, 0] * ancs[:, 2]
    cy = ancs[:, 1] + reg[:, 1] * ancs[:, 3]
    w = ancs[:, 2] * jnp.exp(reg[:, 2])
    h = ancs[:, 3] * jnp.exp(reg[:, 3])
    return jnp.stack([cx, cy, w, h], axis=-1)


def ccwh_to_xyxy(b):
    x1 = b[:, 0] - b[:, 2] / 2.0
    y1 = b[:, 1] - b[:, 3] / 2.0
    x2 = b[:, 0] + b[:, 2] / 2.0
    y2 = b[:, 1] + b[:, 3] / 2.0
    return jnp.stack([x1, y1, x2, y2], axis=-1)


def iou_one_many(box, boxes):
    x1 = jnp.maximum(box[0], boxes[:, 0])
    y1 = jnp.maximum(box[1], boxes[:, 1])
    x2 = jnp.minimum(box[2], boxes[:, 2])
    y2 = jnp.minimum(box[3], boxes[:, 3])
    inter = jnp.clip(x2 - x1, 0.0) * jnp.clip(y2 - y1, 0.0)
    a1 = (box[2] - box[0]) * (box[3] - box[1])
    a2 = (boxes[:, 2] - boxes[:, 0]) * (boxes[:, 3] - boxes[:, 1])
    return inter / jnp.maximum(a1 + a2 - inter, 1e-8)


def nms_fixed(boxes, max_out, iou_thresh):
    # boxes are already sorted by descending score; greedy NMS, fixed-size padded output
    n = boxes.shape[0]
    active0 = jnp.ones((n,), dtype=bool)

    def body(active, _):
        idx = jnp.argmax(active)  # first still-active (highest score) box
        valid = active[idx]
        box = boxes[idx]
        ious = iou_one_many(box, boxes)
        suppress = ious > iou_thresh
        new_active = jnp.where(valid, active & (~suppress), active)
        out_box = jnp.where(valid, box, jnp.zeros((4,), boxes.dtype))
        return new_active, (out_box, valid)

    _, (sel_boxes, sel_valid) = jax.lax.scan(body, active0, None, length=max_out)
    return sel_boxes, sel_valid


def reference(feats, ancs, ancs_valid, W1, b1, Wc, bc, Wr, br):
    # 1x1 conv bottleneck + relu
    h = jax.nn.relu(jnp.einsum('bhwc,cd->bhwd', feats, W1) + b1)
    cls_pred = jax.nn.sigmoid(jnp.einsum('bhwc,cd->bhwd', h, Wc) + bc)
    reg_pred = jnp.einsum('bhwc,cd->bhwd', h, Wr) + br
    reg_pred = reg_pred.reshape(reg_pred.shape[:-1] + (NUM_ANCS, 4))
    # extract_proposals (eval mode: pre=6000, post=300)
    cls_flat = cls_pred.reshape(-1)
    reg_flat = reg_pred.reshape(-1, 4)
    ancs_flat = ancs.reshape(-1, 4)
    props = apply_offsets(ancs_flat, reg_flat)
    props = ccwh_to_xyxy(props)
    props = jnp.clip(props, 0.0, 1.0)
    order = jnp.argsort(cls_flat)[::-1]
    props_sorted = props[order][:MAX_PRE_NMS]
    sel_boxes, sel_valid = nms_fixed(props_sorted, MAX_POST_NMS, IOU_THRESH)
    proposals = sel_boxes * sel_valid[:, None].astype(sel_boxes.dtype)
    return cls_pred, reg_pred, proposals

if __name__ == "__main__":
    import jax
    _d = setup_inputs()
    print(jax.jit(kernel)(*tuple(_d.values())))

</pallas_src>

<mosaic_0001>
#map = affine_map<(d0, d1) -> (0)>
module attributes {stable_mosaic.version = 14 : i64} {
  func.func @_sc_compact_body(%arg0: i32, %arg1: i32, %arg2: memref<36864xf32, #tpu.memory_space<hbm>>, %arg3: memref<36864xf32, #tpu.memory_space<hbm>>, %arg4: memref<36864xf32, #tpu.memory_space<hbm>>, %arg5: memref<36864xf32, #tpu.memory_space<hbm>>, %arg6: memref<36864xf32, #tpu.memory_space<hbm>>, %arg7: memref<36864xi32, #tpu.memory_space<hbm>>, %arg8: memref<43008xf32, #tpu.memory_space<hbm>>, %arg9: memref<43008xf32, #tpu.memory_space<hbm>>, %arg10: memref<43008xf32, #tpu.memory_space<hbm>>, %arg11: memref<43008xf32, #tpu.memory_space<hbm>>, %arg12: memref<43008xf32, #tpu.memory_space<hbm>>, %arg13: memref<1152xf32, #tpu.memory_space<vmem>>, %arg14: memref<1152xf32, #tpu.memory_space<vmem>>, %arg15: memref<1152xf32, #tpu.memory_space<vmem>>, %arg16: memref<1152xf32, #tpu.memory_space<vmem>>, %arg17: memref<1152xf32, #tpu.memory_space<vmem>>, %arg18: memref<1152xi32, #tpu.memory_space<vmem>>, %arg19: memref<!tpu.dma_semaphore, #tpu.memory_space<semaphore_mem>>) attributes {dimension_semantics = [#tpu.dimension_semantics<core_parallel>, #tpu.dimension_semantics<subcore_parallel>], iteration_bounds = array<i64: 2, 16>, scalar_prefetch = 0 : i64, scratch_operands = 7 : i64, tpu.core_type = #tpu.core_type<sc_vector_subcore>, window_params = [{transform_indices = #map}, {transform_indices = #map}, {transform_indices = #map}, {transform_indices = #map}, {transform_indices = #map}, {transform_indices = #map}, {transform_indices = #map}, {transform_indices = #map}, {transform_indices = #map}, {transform_indices = #map}, {transform_indices = #map}]} {
    %mul3A = arith.constant 2 : i32
    %mul3A_0 = arith.muli %arg1, %mul3A : i32
    %add3A = arith.addi %mul3A_0, %arg0 : i32
    %mul3A_1 = arith.constant 1152 : i32
    %mul3A_2 = arith.muli %add3A, %mul3A_1 : i32
    "tpu.region"() ({
      %run_scoped3A = tpu.sem_alloc : memref<!tpu.dma_semaphore, #tpu.memory_space<semaphore_mem>>
      %dma_start3A_21 = tpu.memref_slice %arg2[%mul3A_2] : memref<36864xf32, #tpu.memory_space<hbm>> -> memref<1152xf32, #tpu.memory_space<hbm>>
      %dma_start3A_22 = tpu.memref_slice %arg2[%mul3A_2] : memref<36864xf32, #tpu.memory_space<hbm>> -> memref<1152xf32, #tpu.memory_space<hbm>>
      tpu.enqueue_dma source(%dma_start3A_22 : memref<1152xf32, #tpu.memory_space<hbm>>) target(%arg13 : memref<1152xf32, #tpu.memory_space<vmem>>) target_semaphore(%run_scoped3A : memref<!tpu.dma_semaphore, #tpu.memory_space<semaphore_mem>>)
      %dma_wait3A_23 = tpu.memref_slice %arg2[%mul3A_2] : memref<36864xf32, #tpu.memory_space<hbm>> -> memref<1152xf32, #tpu.memory_space<hbm>>
      %dma_wait3A_24 = tpu.memref_slice %arg2[%mul3A_2] : memref<36864xf32, #tpu.memory_space<hbm>> -> memref<1152xf32, #tpu.memory_space<hbm>>
      tpu.wait_dma2 semaphore(%run_scoped3A : memref<!tpu.dma_semaphore, #tpu.memory_space<semaphore_mem>>) src(%dma_wait3A_24 : memref<1152xf32, #tpu.memory_space<hbm>>) dst(%arg13 : memref<1152xf32, #tpu.memory_space<vmem>>)
      tpu.yield
    }) : () -> ()
    "tpu.region"() ({
      %run_scoped3A = tpu.sem_alloc : memref<!tpu.dma_semaphore, #tpu.memory_space<semaphore_mem>>
      %dma_start3A_21 = tpu.memref_slice %arg3[%mul3A_2] : memref<36864xf32, #tpu.memory_space<hbm>> -> memref<1152xf32, #tpu.memory_space<hbm>>
      %dma_start3A_22 = tpu.memref_slice %arg3[%mul3A_2] : memref<36864xf32, #tpu.memory_space<hbm>> -> memref<1152xf32, #tpu.memory_space<hbm>>
      tpu.enqueue_dma source(%dma_start3A_22 : memref<1152xf32, #tpu.memory_space<hbm>>) target(%arg14 : memref<1152xf32, #tpu.memory_space<vmem>>) target_semaphore(%run_scoped3A : memref<!tpu.dma_semaphore, #tpu.memory_space<semaphore_mem>>)
      %dma_wait3A_23 = tpu.memref_slice %arg3[%mul3A_2] : memref<36864xf32, #tpu.memory_space<hbm>> -> memref<1152xf32, #tpu.memory_space<hbm>>
      %dma_wait3A_24 = tpu.memref_slice %arg3[%mul3A_2] : memref<36864xf32, #tpu.memory_space<hbm>> -> memref<1152xf32, #tpu.memory_space<hbm>>
      tpu.wait_dma2 semaphore(%run_scoped3A : memref<!tpu.dma_semaphore, #tpu.memory_space<semaphore_mem>>) src(%dma_wait3A_24 : memref<1152xf32, #tpu.memory_space<hbm>>) dst(%arg14 : memref<1152xf32, #tpu.memory_space<vmem>>)
      tpu.yield
    }) : () -> ()
    "tpu.region"() ({
      %run_scoped3A = tpu.sem_alloc : memref<!tpu.dma_semaphore, #tpu.memory_space<semaphore_mem>>
      %dma_start3A_21 = tpu.memref_slice %arg4[%mul3A_2] : memref<36864xf32, #tpu.memory_space<hbm>> -> memref<1152xf32, #tpu.memory_space<hbm>>
      %dma_start3A_22 = tpu.memref_slice %arg4[%mul3A_2] : memref<36864xf32, #tpu.memory_space<hbm>> -> memref<1152xf32, #tpu.memory_space<hbm>>
      tpu.enqueue_dma source(%dma_start3A_22 : memref<1152xf32, #tpu.memory_space<hbm>>) target(%arg15 : memref<1152xf32, #tpu.memory_space<vmem>>) target_semaphore(%run_scoped3A : memref<!tpu.dma_semaphore, #tpu.memory_space<semaphore_mem>>)
      %dma_wait3A_23 = tpu.memref_slice %arg4[%mul3A_2] : memref<36864xf32, #tpu.memory_space<hbm>> -> memref<1152xf32, #tpu.memory_space<hbm>>
      %dma_wait3A_24 = tpu.memref_slice %arg4[%mul3A_2] : memref<36864xf32, #tpu.memory_space<hbm>> -> memref<1152xf32, #tpu.memory_space<hbm>>
      tpu.wait_dma2 semaphore(%run_scoped3A : memref<!tpu.dma_semaphore, #tpu.memory_space<semaphore_mem>>) src(%dma_wait3A_24 : memref<1152xf32, #tpu.memory_space<hbm>>) dst(%arg15 : memref<1152xf32, #tpu.memory_space<vmem>>)
      tpu.yield
    }) : () -> ()
    "tpu.region"() ({
      %run_scoped3A = tpu.sem_alloc : memref<!tpu.dma_semaphore, #tpu.memory_space<semaphore_mem>>
      %dma_start3A_21 = tpu.memref_slice %arg5[%mul3A_2] : memref<36864xf32, #tpu.memory_space<hbm>> -> memref<1152xf32, #tpu.memory_space<hbm>>
      %dma_start3A_22 = tpu.memref_slice %arg5[%mul3A_2] : memref<36864xf32, #tpu.memory_space<hbm>> -> memref<1152xf32, #tpu.memory_space<hbm>>
      tpu.enqueue_dma source(%dma_start3A_22 : memref<1152xf32, #tpu.memory_space<hbm>>) target(%arg16 : memref<1152xf32, #tpu.memory_space<vmem>>) target_semaphore(%run_scoped3A : memref<!tpu.dma_semaphore, #tpu.memory_space<semaphore_mem>>)
      %dma_wait3A_23 = tpu.memref_slice %arg5[%mul3A_2] : memref<36864xf32, #tpu.memory_space<hbm>> -> memref<1152xf32, #tpu.memory_space<hbm>>
      %dma_wait3A_24 = tpu.memref_slice %arg5[%mul3A_2] : memref<36864xf32, #tpu.memory_space<hbm>> -> memref<1152xf32, #tpu.memory_space<hbm>>
      tpu.wait_dma2 semaphore(%run_scoped3A : memref<!tpu.dma_semaphore, #tpu.memory_space<semaphore_mem>>) src(%dma_wait3A_24 : memref<1152xf32, #tpu.memory_space<hbm>>) dst(%arg16 : memref<1152xf32, #tpu.memory_space<vmem>>)
      tpu.yield
    }) : () -> ()
    "tpu.region"() ({
      %run_scoped3A = tpu.sem_alloc : memref<!tpu.dma_semaphore, #tpu.memory_space<semaphore_mem>>
      %dma_start3A_21 = tpu.memref_slice %arg6[%mul3A_2] : memref<36864xf32, #tpu.memory_space<hbm>> -> memref<1152xf32, #tpu.memory_space<hbm>>
      %dma_start3A_22 = tpu.memref_slice %arg6[%mul3A_2] : memref<36864xf32, #tpu.memory_space<hbm>> -> memref<1152xf32, #tpu.memory_space<hbm>>
      tpu.enqueue_dma source(%dma_start3A_22 : memref<1152xf32, #tpu.memory_space<hbm>>) target(%arg17 : memref<1152xf32, #tpu.memory_space<vmem>>) target_semaphore(%run_scoped3A : memref<!tpu.dma_semaphore, #tpu.memory_space<semaphore_mem>>)
      %dma_wait3A_23 = tpu.memref_slice %arg6[%mul3A_2] : memref<36864xf32, #tpu.memory_space<hbm>> -> memref<1152xf32, #tpu.memory_space<hbm>>
      %dma_wait3A_24 = tpu.memref_slice %arg6[%mul3A_2] : memref<36864xf32, #tpu.memory_space<hbm>> -> memref<1152xf32, #tpu.memory_space<hbm>>
      tpu.wait_dma2 semaphore(%run_scoped3A : memref<!tpu.dma_semaphore, #tpu.memory_space<semaphore_mem>>) src(%dma_wait3A_24 : memref<1152xf32, #tpu.memory_space<hbm>>) dst(%arg17 : memref<1152xf32, #tpu.memory_space<vmem>>)
      tpu.yield
    }) : () -> ()
    "tpu.region"() ({
      %run_scoped3A = tpu.sem_alloc : memref<!tpu.dma_semaphore, #tpu.memory_space<semaphore_mem>>
      %dma_start3A_21 = tpu.memref_slice %arg7[%mul3A_2] : memref<36864xi32, #tpu.memory_space<hbm>> -> memref<1152xi32, #tpu.memory_space<hbm>>
      %dma_start3A_22 = tpu.memref_slice %arg7[%mul3A_2] : memref<36864xi32, #tpu.memory_space<hbm>> -> memref<1152xi32, #tpu.memory_space<hbm>>
      tpu.enqueue_dma source(%dma_start3A_22 : memref<1152xi32, #tpu.memory_space<hbm>>) target(%arg18 : memref<1152xi32, #tpu.memory_space<vmem>>) target_semaphore(%run_scoped3A : memref<!tpu.dma_semaphore, #tpu.memory_space<semaphore_mem>>)
      %dma_wait3A_23 = tpu.memref_slice %arg7[%mul3A_2] : memref<36864xi32, #tpu.memory_space<hbm>> -> memref<1152xi32, #tpu.memory_space<hbm>>
      %dma_wait3A_24 = tpu.memref_slice %arg7[%mul3A_2] : memref<36864xi32, #tpu.memory_space<hbm>> -> memref<1152xi32, #tpu.memory_space<hbm>>
      tpu.wait_dma2 semaphore(%run_scoped3A : memref<!tpu.dma_semaphore, #tpu.memory_space<semaphore_mem>>) src(%dma_wait3A_24 : memref<1152xi32, #tpu.memory_space<hbm>>) dst(%arg18 : memref<1152xi32, #tpu.memory_space<vmem>>)
      tpu.yield
    }) : () -> ()
    %dma_start3A = arith.constant 0 : i32
    %dma_start3A_3 = tpu.memref_slice %arg8[%dma_start3A] : memref<43008xf32, #tpu.memory_space<hbm>> -> memref<43008xf32, #tpu.memory_space<hbm>>
    tpu.enqueue_indirect_dma source(%arg13 : memref<1152xf32, #tpu.memory_space<vmem>>) target(%dma_start3A_3 : memref<43008xf32, #tpu.memory_space<hbm>>) offsets(%arg18 : memref<1152xi32, #tpu.memory_space<vmem>>) semaphore(%arg19 : memref<!tpu.dma_semaphore, #tpu.memory_space<semaphore_mem>>)
    %dma_start3A_4 = arith.constant 0 : i32
    %dma_start3A_5 = tpu.memref_slice %arg9[%dma_start3A_4] : memref<43008xf32, #tpu.memory_space<hbm>> -> memref<43008xf32, #tpu.memory_space<hbm>>
    tpu.enqueue_indirect_dma source(%arg14 : memref<1152xf32, #tpu.memory_space<vmem>>) target(%dma_start3A_5 : memref<43008xf32, #tpu.memory_space<hbm>>) offsets(%arg18 : memref<1152xi32, #tpu.memory_space<vmem>>) semaphore(%arg19 : memref<!tpu.dma_semaphore, #tpu.memory_space<semaphore_mem>>)
    %dma_start3A_6 = arith.constant 0 : i32
    %dma_start3A_7 = tpu.memref_slice %arg10[%dma_start3A_6] : memref<43008xf32, #tpu.memory_space<hbm>> -> memref<43008xf32, #tpu.memory_space<hbm>>
    tpu.enqueue_indirect_dma source(%arg15 : memref<1152xf32, #tpu.memory_space<vmem>>) target(%dma_start3A_7 : memref<43008xf32, #tpu.memory_space<hbm>>) offsets(%arg18 : memref<1152xi32, #tpu.memory_space<vmem>>) semaphore(%arg19 : memref<!tpu.dma_semaphore, #tpu.memory_space<semaphore_mem>>)
    %dma_start3A_8 = arith.constant 0 : i32
    %dma_start3A_9 = tpu.memref_slice %arg11[%dma_start3A_8] : memref<43008xf32, #tpu.memory_space<hbm>> -> memref<43008xf32, #tpu.memory_space<hbm>>
    tpu.enqueue_indirect_dma source(%arg16 : memref<1152xf32, #tpu.memory_space<vmem>>) target(%dma_start3A_9 : memref<43008xf32, #tpu.memory_space<hbm>>) offsets(%arg18 : memref<1152xi32, #tpu.memory_space<vmem>>) semaphore(%arg19 : memref<!tpu.dma_semaphore, #tpu.memory_space<semaphore_mem>>)
    %dma_start3A_10 = arith.constant 0 : i32
    %dma_start3A_11 = tpu.memref_slice %arg12[%dma_start3A_10] : memref<43008xf32, #tpu.memory_space<hbm>> -> memref<43008xf32, #tpu.memory_space<hbm>>
    tpu.enqueue_indirect_dma source(%arg17 : memref<1152xf32, #tpu.memory_space<vmem>>) target(%dma_start3A_11 : memref<43008xf32, #tpu.memory_space<hbm>>) offsets(%arg18 : memref<1152xi32, #tpu.memory_space<vmem>>) semaphore(%arg19 : memref<!tpu.dma_semaphore, #tpu.memory_space<semaphore_mem>>)
    %dma_wait3A = arith.constant 0 : i32
    %dma_wait3A_12 = tpu.memref_slice %arg8[%dma_wait3A] : memref<43008xf32, #tpu.memory_space<hbm>> -> memref<43008xf32, #tpu.memory_space<hbm>>
    tpu.wait_indirect_dma semaphore(%arg19 : memref<!tpu.dma_semaphore, #tpu.memory_space<semaphore_mem>>) src(%arg13 : memref<1152xf32, #tpu.memory_space<vmem>>) dst(%dma_wait3A_12 : memref<43008xf32, #tpu.memory_space<hbm>>)
    %dma_wait3A_13 = arith.constant 0 : i32
    %dma_wait3A_14 = tpu.memref_slice %arg9[%dma_wait3A_13] : memref<43008xf32, #tpu.memory_space<hbm>> -> memref<43008xf32, #tpu.memory_space<hbm>>
    tpu.wait_indirect_dma semaphore(%arg19 : memref<!tpu.dma_semaphore, #tpu.memory_space<semaphore_mem>>) src(%arg14 : memref<1152xf32, #tpu.memory_space<vmem>>) dst(%dma_wait3A_14 : memref<43008xf32, #tpu.memory_space<hbm>>)
    %dma_wait3A_15 = arith.constant 0 : i32
    %dma_wait3A_16 = tpu.memref_slice %arg10[%dma_wait3A_15] : memref<43008xf32, #tpu.memory_space<hbm>> -> memref<43008xf32, #tpu.memory_space<hbm>>
    tpu.wait_indirect_dma semaphore(%arg19 : memref<!tpu.dma_semaphore, #tpu.memory_space<semaphore_mem>>) src(%arg15 : memref<1152xf32, #tpu.memory_space<vmem>>) dst(%dma_wait3A_16 : memref<43008xf32, #tpu.memory_space<hbm>>)
    %dma_wait3A_17 = arith.constant 0 : i32
    %dma_wait3A_18 = tpu.memref_slice %arg11[%dma_wait3A_17] : memref<43008xf32, #tpu.memory_space<hbm>> -> memref<43008xf32, #tpu.memory_space<hbm>>
    tpu.wait_indirect_dma semaphore(%arg19 : memref<!tpu.dma_semaphore, #tpu.memory_space<semaphore_mem>>) src(%arg16 : memref<1152xf32, #tpu.memory_space<vmem>>) dst(%dma_wait3A_18 : memref<43008xf32, #tpu.memory_space<hbm>>)
    %dma_wait3A_19 = arith.constant 0 : i32
    %dma_wait3A_20 = tpu.memref_slice %arg12[%dma_wait3A_19] : memref<43008xf32, #tpu.memory_space<hbm>> -> memref<43008xf32, #tpu.memory_space<hbm>>
    tpu.wait_indirect_dma semaphore(%arg19 : memref<!tpu.dma_semaphore, #tpu.memory_space<semaphore_mem>>) src(%arg17 : memref<1152xf32, #tpu.memory_space<vmem>>) dst(%dma_wait3A_20 : memref<43008xf32, #tpu.memory_space<hbm>>)
    return
  }
}

module attributes {stable_mosaic.version = 14 : i64} {
  func.func @_mm_body(%arg0: i32, %arg1: memref<512x1024xf32, #tpu.memory_space<vmem>>, %arg2: memref<1024x512xf32, #tpu.memory_space<vmem>>, %arg3: memref<1x512xf32, #tpu.memory_space<vmem>>, %arg4: memref<512x128xf32, #tpu.memory_space<vmem>>, %arg5: memref<1x128xf32, #tpu.memory_space<vmem>>, %arg6: memref<512x128xf32, #tpu.memory_space<vmem>>) attributes {dimension_semantics = [#tpu.dimension_semantics<arbitrary>], iteration_bounds = array<i64: 8>, scalar_prefetch = 0 : i64, scratch_operands = 0 : i64, tpu.core_type = #tpu.core_type<tc>, window_params = [{transform_indices = @transform_0, window_bounds = array<i64: 512, 1024>}, {pipeline_mode = #tpu.pipeline_mode<synchronous>, transform_indices = @transform_1, window_bounds = array<i64: 1024, 512>}, {pipeline_mode = #tpu.pipeline_mode<synchronous>, transform_indices = @transform_2, window_bounds = array<i64: 1, 512>}, {pipeline_mode = #tpu.pipeline_mode<synchronous>, transform_indices = @transform_3, window_bounds = array<i64: 512, 128>}, {pipeline_mode = #tpu.pipeline_mode<synchronous>, transform_indices = @transform_4, window_bounds = array<i64: 1, 128>}, {transform_indices = @transform_5, window_bounds = array<i64: 512, 128>}]} {
    %get3A = arith.constant 0 : index
    %get3A_0 = arith.constant 0 : index
    %get3A_1 = vector.load %arg1[%get3A, %get3A_0] : memref<512x1024xf32, #tpu.memory_space<vmem>>, vector<512x1024xf32>
    %get3A_2 = arith.constant 0 : index
    %get3A_3 = arith.constant 0 : index
    %get3A_4 = vector.load %arg2[%get3A_2, %get3A_3] : memref<1024x512xf32, #tpu.memory_space<vmem>>, vector<1024x512xf32>
    %dot_general3A = arith.constant dense<0.000000e+00> : vector<512x512xf32>
    %dot_general3A_5 = tpu.matmul %get3A_1, %get3A_4, %dot_general3A {dimension_numbers = #tpu.dot_dimension_numbers<[1], [0], [0], [1], [0, 0, 1, 1], [], []>, transpose_lhs_hint = false} : vector<512x1024xf32>, vector<1024x512xf32>, vector<512x512xf32> -> vector<512x512xf32>
    %get3A_6 = arith.constant 0 : index
    %get3A_7 = arith.constant 0 : index
    %get3A_8 = vector.load %arg3[%get3A_6, %get3A_7] : memref<1x512xf32, #tpu.memory_space<vmem>>, vector<1x512xf32>
    %add3A = vector.broadcast %get3A_8 : vector<1x512xf32> to vector<512x512xf32>
    %add3A_9 = arith.addf %dot_general3A_5, %add3A : vector<512x512xf32>
    %max3A = arith.constant 0.000000e+00 : f32
    %max3A_10 = vector.broadcast %max3A : f32 to vector<512x512xf32>
    %max3A_11 = arith.maximumf %add3A_9, %max3A_10 : vector<512x512xf32>
    %get3A_12 = arith.constant 0 : index
    %get3A_13 = arith.constant 0 : index
    %get3A_14 = vector.load %arg4[%get3A_12, %get3A_13] : memref<512x128xf32, #tpu.memory_space<vmem>>, vector<512x128xf32>
    %dot_general3A_15 = arith.constant dense<0.000000e+00> : vector<512x128xf32>
    %dot_general3A_16 = tpu.matmul %max3A_11, %get3A_14, %dot_general3A_15 {dimension_numbers = #tpu.dot_dimension_numbers<[1], [0], [0], [1], [0, 0, 1, 1], [], []>, transpose_lhs_hint = false} : vector<512x512xf32>, vector<512x128xf32>, vector<512x128xf32> -> vector<512x128xf32>
    %get3A_17 = arith.constant 0 : index
    %get3A_18 = arith.constant 0 : index
    %get3A_19 = vector.load %arg5[%get3A_17, %get3A_18] : memref<1x128xf32, #tpu.memory_space<vmem>>, vector<1x128xf32>
    %add3A_20 = vector.broadcast %get3A_19 : vector<1x128xf32> to vector<512x128xf32>
    %add3A_21 = arith.addf %dot_general3A_16, %add3A_20 : vector<512x128xf32>
    %iota3A = tpu.iota {dimensions = array<i32: 1>} : vector<512x128xi32>
    %lt3A = arith.constant 16 : i32
    %lt3A_22 = vector.broadcast %lt3A : i32 to vector<512x128xi32>
    %lt3A_23 = arith.cmpi slt, %iota3A, %lt3A_22 : vector<512x128xi32>
    %logistic3A = arith.negf %add3A_21 : vector<512x128xf32>
    %logistic3A_24 = math.exp %logistic3A : vector<512x128xf32>
    %logistic3A_25 = arith.constant 1.000000e+00 : f32
    %logistic3A_26 = vector.broadcast %logistic3A_25 : f32 to vector<512x128xf32>
    %logistic3A_27 = arith.addf %logistic3A_26, %logistic3A_24 : vector<512x128xf32>
    %logistic3A_28 = arith.divf %logistic3A_26, %logistic3A_27 : vector<512x128xf32>
    %select_n3A = arith.select %lt3A_23, %logistic3A_28, %add3A_21 : vector<512x128xi1>, vector<512x128xf32>
    %swap3A = arith.constant 0 : index
    %swap3A_29 = arith.constant 0 : index
    %swap3A_30 = vector.load %arg6[%swap3A, %swap3A_29] : memref<512x128xf32, #tpu.memory_space<vmem>>, vector<512x128xf32>
    tpu.vector_store %arg6[%swap3A, %swap3A_29], %select_n3A {strides = array<i32>} : memref<512x128xf32, #tpu.memory_space<vmem>>, vector<512x128xf32>,
    return
  }
  func.func @transform_0(%arg0: i32) -> (i32, i32) {
    %c0_i32 = arith.constant 0 : i32
    %c0_i32_0 = arith.constant 0 : i32
    return %arg0, %c0_i32 : i32, i32
  }
  func.func @transform_1(%arg0: i32) -> (i32, i32) {
    %c0_i32 = arith.constant 0 : i32
    %c0_i32_0 = arith.constant 0 : i32
    %c0_i32_1 = arith.constant 0 : i32
    return %c0_i32, %c0_i32_0 : i32, i32
  }
  func.func @transform_2(%arg0: i32) -> (i32, i32) {
    %c0_i32 = arith.constant 0 : i32
    %c0_i32_0 = arith.constant 0 : i32
    %c0_i32_1 = arith.constant 0 : i32
    return %c0_i32, %c0_i32_0 : i32, i32
  }
  func.func @transform_3(%arg0: i32) -> (i32, i32) {
    %c0_i32 = arith.constant 0 : i32
    %c0_i32_0 = arith.constant 0 : i32
    %c0_i32_1 = arith.constant 0 : i32
    return %c0_i32, %c0_i32_0 : i32, i32
  }
  func.func @transform_4(%arg0: i32) -> (i32, i32) {
    %c0_i32 = arith.constant 0 : i32
    %c0_i32_0 = arith.constant 0 : i32
    %c0_i32_1 = arith.constant 0 : i32
    return %c0_i32, %c0_i32_0 : i32, i32
  }
  func.func @transform_5(%arg0: i32) -> (i32, i32) {
    %c0_i32 = arith.constant 0 : i32
    %c0_i32_0 = arith.constant 0 : i32
    return %arg0, %c0_i32 : i32, i32
  }
}

module attributes {stable_mosaic.version = 14 : i64} {
  func.func @_prep_body(%arg0: memref<288x128xf32, #tpu.memory_space<vmem>>, %arg1: memref<288x128xf32, #tpu.memory_space<vmem>>, %arg2: memref<288x128xf32, #tpu.memory_space<vmem>>, %arg3: memref<288x128xf32, #tpu.memory_space<vmem>>, %arg4: memref<288x128xf32, #tpu.memory_space<vmem>>, %arg5: memref<288x128xf32, #tpu.memory_space<vmem>>, %arg6: memref<288x128xf32, #tpu.memory_space<vmem>>, %arg7: memref<288x128xf32, #tpu.memory_space<vmem>>, %arg8: memref<288x128xf32, #tpu.memory_space<vmem>>, %arg9: memref<288x128xf32, #tpu.memory_space<vmem>>, %arg10: memref<288x128xf32, #tpu.memory_space<vmem>>, %arg11: memref<288x128xf32, #tpu.memory_space<vmem>>, %arg12: memref<288x128xf32, #tpu.memory_space<vmem>>, %arg13: memref<288x128xi32, #tpu.memory_space<vmem>>) attributes {dimension_semantics = [], scalar_prefetch = 0 : i64, scratch_operands = 0 : i64, tpu.core_type = #tpu.core_type<tc>} {
    %get3A = arith.constant 0 : index
    %get3A_0 = arith.constant 0 : index
    %get3A_1 = vector.load %arg3[%get3A, %get3A_0] : memref<288x128xf32, #tpu.memory_space<vmem>>, vector<288x128xf32>
    %get3A_2 = arith.constant 0 : index
    %get3A_3 = arith.constant 0 : index
    %get3A_4 = vector.load %arg4[%get3A_2, %get3A_3] : memref<288x128xf32, #tpu.memory_space<vmem>>, vector<288x128xf32>
    %get3A_5 = arith.constant 0 : index
    %get3A_6 = arith.constant 0 : index
    %get3A_7 = vector.load %arg1[%get3A_5, %get3A_6] : memref<288x128xf32, #tpu.memory_space<vmem>>, vector<288x128xf32>
    %get3A_8 = arith.constant 0 : index
    %get3A_9 = arith.constant 0 : index
    %get3A_10 = vector.load %arg5[%get3A_8, %get3A_9] : memref<288x128xf32, #tpu.memory_space<vmem>>, vector<288x128xf32>
    %mul3A = arith.mulf %get3A_10, %get3A_1 : vector<288x128xf32>
    %add3A = arith.addf %get3A_7, %mul3A : vector<288x128xf32>
    %get3A_11 = arith.constant 0 : index
    %get3A_12 = arith.constant 0 : index
    %get3A_13 = vector.load %arg2[%get3A_11, %get3A_12] : memref<288x128xf32, #tpu.memory_space<vmem>>, vector<288x128xf32>
    %get3A_14 = arith.constant 0 : index
    %get3A_15 = arith.constant 0 : index
    %get3A_16 = vector.load %arg6[%get3A_14, %get3A_15] : memref<288x128xf32, #tpu.memory_space<vmem>>, vector<288x128xf32>
    %mul3A_17 = arith.mulf %get3A_16, %get3A_4 : vector<288x128xf32>
    %add3A_18 = arith.addf %get3A_13, %mul3A_17 : vector<288x128xf32>
    %get3A_19 = arith.constant 0 : index
    %get3A_20 = arith.constant 0 : index
    %get3A_21 = vector.load %arg7[%get3A_19, %get3A_20] : memref<288x128xf32, #tpu.memory_space<vmem>>, vector<288x128xf32>
    %exp3A = math.exp %get3A_21 : vector<288x128xf32>
    %mul3A_22 = arith.mulf %get3A_1, %exp3A : vector<288x128xf32>
    %get3A_23 = arith.constant 0 : index
    %get3A_24 = arith.constant 0 : index
    %get3A_25 = vector.load %arg8[%get3A_23, %get3A_24] : memref<288x128xf32, #tpu.memory_space<vmem>>, vector<288x128xf32>
    %exp3A_26 = math.exp %get3A_25 : vector<288x128xf32>
    %mul3A_27 = arith.mulf %get3A_4, %exp3A_26 : vector<288x128xf32>
    %mul3A_28 = arith.constant 5.000000e-01 : f32
    %mul3A_29 = vector.broadcast %mul3A_28 : f32 to vector<288x128xf32>
    %mul3A_30 = arith.mulf %mul3A_22, %mul3A_29 : vector<288x128xf32>
    %sub3A = arith.subf %add3A, %mul3A_30 : vector<288x128xf32>
    %jit3A = arith.constant 0.000000e+00 : f32
    %jit3A_31 = arith.constant 1.000000e+00 : f32
    %max3A = vector.broadcast %jit3A : f32 to vector<288x128xf32>
    %max3A_32 = arith.maximumf %max3A, %sub3A : vector<288x128xf32>
    %min3A = vector.broadcast %jit3A_31 : f32 to vector<288x128xf32>
    %min3A_33 = arith.minimumf %min3A, %max3A_32 : vector<288x128xf32>
    %swap3A = arith.constant 0 : index
    %swap3A_34 = arith.constant 0 : index
    %swap3A_35 = vector.load %arg9[%swap3A, %swap3A_34] : memref<288x128xf32, #tpu.memory_space<vmem>>, vector<288x128xf32>
    tpu.vector_store %arg9[%swap3A, %swap3A_34], %min3A_33 {strides = array<i32>} : memref<288x128xf32, #tpu.memory_space<vmem>>, vector<288x128xf32>,
    %mul3A_36 = arith.constant 5.000000e-01 : f32
    %mul3A_37 = vector.broadcast %mul3A_36 : f32 to vector<288x128xf32>
    %mul3A_38 = arith.mulf %mul3A_27, %mul3A_37 : vector<288x128xf32>
    %sub3A_39 = arith.subf %add3A_18, %mul3A_38 : vector<288x128xf32>
    %jit3A_40 = arith.constant 0.000000e+00 : f32
    %jit3A_41 = arith.constant 1.000000e+00 : f32
    %max3A_42 = vector.broadcast %jit3A_40 : f32 to vector<288x128xf32>
    %max3A_43 = arith.maximumf %max3A_42, %sub3A_39 : vector<288x128xf32>
    %min3A_44 = vector.broadcast %jit3A_41 : f32 to vector<288x128xf32>
    %min3A_45 = arith.minimumf %min3A_44, %max3A_43 : vector<288x128xf32>
    %swap3A_46 = arith.constant 0 : index
    %swap3A_47 = arith.constant 0 : index
    %swap3A_48 = vector.load %arg10[%swap3A_46, %swap3A_47] : memref<288x128xf32, #tpu.memory_space<vmem>>, vector<288x128xf32>
    tpu.vector_store %arg10[%swap3A_46, %swap3A_47], %min3A_45 {strides = array<i32>} : memref<288x128xf32, #tpu.memory_space<vmem>>, vector<288x128xf32>,
    %mul3A_49 = arith.constant 5.000000e-01 : f32
    %mul3A_50 = vector.broadcast %mul3A_49 : f32 to vector<288x128xf32>
    %mul3A_51 = arith.mulf %mul3A_22, %mul3A_50 : vector<288x128xf32>
    %add3A_52 = arith.addf %add3A, %mul3A_51 : vector<288x128xf32>
    %jit3A_53 = arith.constant 0.000000e+00 : f32
    %jit3A_54 = arith.constant 1.000000e+00 : f32
    %max3A_55 = vector.broadcast %jit3A_53 : f32 to vector<288x128xf32>
    %max3A_56 = arith.maximumf %max3A_55, %add3A_52 : vector<288x128xf32>
    %min3A_57 = vector.broadcast %jit3A_54 : f32 to vector<288x128xf32>
    %min3A_58 = arith.minimumf %min3A_57, %max3A_56 : vector<288x128xf32>
    %swap3A_59 = arith.constant 0 : index
    %swap3A_60 = arith.constant 0 : index
    %swap3A_61 = vector.load %arg11[%swap3A_59, %swap3A_60] : memref<288x128xf32, #tpu.memory_space<vmem>>, vector<288x128xf32>
    tpu.vector_store %arg11[%swap3A_59, %swap3A_60], %min3A_58 {strides = array<i32>} : memref<288x128xf32, #tpu.memory_space<vmem>>, vector<288x128xf32>,
    %mul3A_62 = arith.constant 5.000000e-01 : f32
    %mul3A_63 = vector.broadcast %mul3A_62 : f32 to vector<288x128xf32>
    %mul3A_64 = arith.mulf %mul3A_27, %mul3A_63 : vector<288x128xf32>
    %add3A_65 = arith.addf %add3A_18, %mul3A_64 : vector<288x128xf32>
    %jit3A_66 = arith.constant 0.000000e+00 : f32
    %jit3A_67 = arith.constant 1.000000e+00 : f32
    %max3A_68 = vector.broadcast %jit3A_66 : f32 to vector<288x128xf32>
    %max3A_69 = arith.maximumf %max3A_68, %add3A_65 : vector<288x128xf32>
    %min3A_70 = vector.broadcast %jit3A_67 : f32 to vector<288x128xf32>
    %min3A_71 = arith.minimumf %min3A_70, %max3A_69 : vector<288x128xf32>
    %swap3A_72 = arith.constant 0 : index
    %swap3A_73 = arith.constant 0 : index
    %swap3A_74 = vector.load %arg12[%swap3A_72, %swap3A_73] : memref<288x128xf32, #tpu.memory_space<vmem>>, vector<288x128xf32>
    tpu.vector_store %arg12[%swap3A_72, %swap3A_73], %min3A_71 {strides = array<i32>} : memref<288x128xf32, #tpu.memory_space<vmem>>, vector<288x128xf32>,
    %get3A_75 = arith.constant 0 : index
    %get3A_76 = arith.constant 0 : index
    %get3A_77 = vector.load %arg0[%get3A_75, %get3A_76] : memref<288x128xf32, #tpu.memory_space<vmem>>, vector<288x128xf32>
    %bitcast_convert_type3A = tpu.bitcast %get3A_77 : vector<288x128xf32> -> vector<288x128xi32>
    %iota3A = tpu.iota {dimensions = array<i32: 0>} : vector<288x128xi32>
    %mul3A_78 = arith.constant 128 : i32
    %mul3A_79 = vector.broadcast %mul3A_78 : i32 to vector<288x128xi32>
    %mul3A_80 = arith.muli %iota3A, %mul3A_79 : vector<288x128xi32>
    %iota3A_81 = tpu.iota {dimensions = array<i32: 1>} : vector<288x128xi32>
    %add3A_82 = arith.addi %mul3A_80, %iota3A_81 : vector<288x128xi32>
    %or3A = arith.constant 0 : i32
    %or3A_83 = arith.constant 1073741824 : i32
    %or3A_84 = arith.ori %or3A, %or3A_83 : i32
    %ge3A = vector.broadcast %or3A_84 : i32 to vector<288x128xi32>
    %ge3A_85 = arith.cmpi sge, %bitcast_convert_type3A, %ge3A : vector<288x128xi32>
    %convert_element_type3A = arith.extui %ge3A_85 : vector<288x128xi1> to vector<288x128xi32>
    %reduce_sum3A = vector.shape_cast %convert_element_type3A : vector<288x128xi32> to vector<1x288x128xi32>
    %reduce_sum3A_86 = arith.constant dense<0> : vector<1xi32>
    %reduce_sum3A_87 = vector.multi_reduction <add>, %reduce_sum3A, %reduce_sum3A_86 [1, 2] : vector<1x288x128xi32> to vector<1xi32>
    %reduce_sum3A_88 = vector.shape_cast %reduce_sum3A_87 : vector<1xi32> to vector<1x1x1xi32>
    %reduce_sum3A_89 = vector.extract %reduce_sum3A_88[0, 0, 0] : i32 from vector<1x1x1xi32>
    %ge3A_90 = arith.constant 6000 : i32
    %ge3A_91 = arith.cmpi sge, %reduce_sum3A_89, %ge3A_90 : i32
    %jit3A_92 = arith.constant 0 : i32
    %select_n3A = arith.select %ge3A_91, %or3A_84, %jit3A_92 : i32
    %or3A_93 = arith.constant 536870912 : i32
    %or3A_94 = arith.ori %select_n3A, %or3A_93 : i32
    %ge3A_95 = vector.broadcast %or3A_94 : i32 to vector<288x128xi32>
    %ge3A_96 = arith.cmpi sge, %bitcast_convert_type3A, %ge3A_95 : vector<288x128xi32>
    %convert_element_type3A_97 = arith.extui %ge3A_96 : vector<288x128xi1> to vector<288x128xi32>
    %reduce_sum3A_98 = vector.shape_cast %convert_element_type3A_97 : vector<288x128xi32> to vector<1x288x128xi32>
    %reduce_sum3A_99 = arith.constant dense<0> : vector<1xi32>
    %reduce_sum3A_100 = vector.multi_reduction <add>, %reduce_sum3A_98, %reduce_sum3A_99 [1, 2] : vector<1x288x128xi32> to vector<1xi32>
    %reduce_sum3A_101 = vector.shape_cast %reduce_sum3A_100 : vector<1xi32> to vector<1x1x1xi32>
    %reduce_sum3A_102 = vector.extract %reduce_sum3A_101[0, 0, 0] : i32 from vector<1x1x1xi32>
    %ge3A_103 = arith.constant 6000 : i32
    %ge3A_104 = arith.cmpi sge, %reduce_sum3A_102, %ge3A_103 : i32
    %select_n3A_105 = arith.select %ge3A_104, %or3A_94, %select_n3A : i32
    %or3A_106 = arith.constant 268435456 : i32
    %or3A_107 = arith.ori %select_n3A_105, %or3A_106 : i32
    %ge3A_108 = vector.broadcast %or3A_107 : i32 to vector<288x128xi32>
    %ge3A_109 = arith.cmpi sge, %bitcast_convert_type3A, %ge3A_108 : vector<288x128xi32>
    %convert_element_type3A_110 = arith.extui %ge3A_109 : vector<288x128xi1> to vector<288x128xi32>
    %reduce_sum3A_111 = vector.shape_cast %convert_element_type3A_110 : vector<288x128xi32> to vector<1x288x128xi32>
    %reduce_sum3A_112 = arith.constant dense<0> : vector<1xi32>
    %reduce_sum3A_113 = vector.multi_reduction <add>, %reduce_sum3A_111, %reduce_sum3A_112 [1, 2] : vector<1x288x128xi32> to vector<1xi32>
    %reduce_sum3A_114 = vector.shape_cast %reduce_sum3A_113 : vector<1xi32> to vector<1x1x1xi32>
    %reduce_sum3A_115 = vector.extract %reduce_sum3A_114[0, 0, 0] : i32 from vector<1x1x1xi32>
    %ge3A_116 = arith.constant 6000 : i32
    %ge3A_117 = arith.cmpi sge, %reduce_sum3A_115, %ge3A_116 : i32
    %select_n3A_118 = arith.select %ge3A_117, %or3A_107, %select_n3A_105 : i32
    %or3A_119 = arith.constant 134217728 : i32
    %or3A_120 = arith.ori %select_n3A_118, %or3A_119 : i32
    %ge3A_121 = vector.broadcast %or3A_120 : i32 to vector<288x128xi32>
    %ge3A_122 = arith.cmpi sge, %bitcast_convert_type3A, %ge3A_121 : vector<288x128xi32>
    %convert_element_type3A_123 = arith.extui %ge3A_122 : vector<288x128xi1> to vector<288x128xi32>
    %reduce_sum3A_124 = vector.shape_cast %convert_element_type3A_123 : vector<288x128xi32> to vector<1x288x128xi32>
    %reduce_sum3A_125 = arith.constant dense<0> : vector<1xi32>
    %reduce_sum3A_126 = vector.multi_reduction <add>, %reduce_sum3A_124, %reduce_sum3A_125 [1, 2] : vector<1x288x128xi32> to vector<1xi32>
    %reduce_sum3A_127 = vector.shape_cast %reduce_sum3A_126 : vector<1xi32> to vector<1x1x1xi32>
    %reduce_sum3A_128 = vector.extract %reduce_sum3A_127[0, 0, 0] : i32 from vector<1x1x1xi32>
    %ge3A_129 = arith.constant 6000 : i32
    %ge3A_130 = arith.cmpi sge, %reduce_sum3A_128, %ge3A_129 : i32
    %select_n3A_131 = arith.select %ge3A_130, %or3A_120, %select_n3A_118 : i32
    %or3A_132 = arith.constant 67108864 : i32
    %or3A_133 = arith.ori %select_n3A_131, %or3A_132 : i32
    %ge3A_134 = vector.broadcast %or3A_133 : i32 to vector<288x128xi32>
    %ge3A_135 = arith.cmpi sge, %bitcast_convert_type3A, %ge3A_134 : vector<288x128xi32>
    %convert_element_type3A_136 = arith.extui %ge3A_135 : vector<288x128xi1> to vector<288x128xi32>
    %reduce_sum3A_137 = vector.shape_cast %convert_element_type3A_136 : vector<288x128xi32> to vector<1x288x128xi32>
    %reduce_sum3A_138 = arith.constant dense<0> : vector<1xi32>
    %reduce_sum3A_139 = vector.multi_reduction <add>, %reduce_sum3A_137, %reduce_sum3A_138 [1, 2] : vector<1x288x128xi32> to vector<1xi32>
    %reduce_sum3A_140 = vector.shape_cast %reduce_sum3A_139 : vector<1xi32> to vector<1x1x1xi32>
    %reduce_sum3A_141 = vector.extract %reduce_sum3A_140[0, 0, 0] : i32 from vector<1x1x1xi32>
    %ge3A_142 = arith.constant 6000 : i32
    %ge3A_143 = arith.cmpi sge, %reduce_sum3A_141, %ge3A_142 : i32
    %select_n3A_144 = arith.select %ge3A_143, %or3A_133, %select_n3A_131 : i32
    %or3A_145 = arith.constant 33554432 : i32
    %or3A_146 = arith.ori %select_n3A_144, %or3A_145 : i32
    %ge3A_147 = vector.broadcast %or3A_146 : i32 to vector<288x128xi32>
    %ge3A_148 = arith.cmpi sge, %bitcast_convert_type3A, %ge3A_147 : vector<288x128xi32>
    %convert_element_type3A_149 = arith.extui %ge3A_148 : vector<288x128xi1> to vector<288x128xi32>
    %reduce_sum3A_150 = vector.shape_cast %convert_element_type3A_149 : vector<288x128xi32> to vector<1x288x128xi32>
    %reduce_sum3A_151 = arith.constant dense<0> : vector<1xi32>
    %reduce_sum3A_152 = vector.multi_reduction <add>, %reduce_sum3A_150, %reduce_sum3A_151 [1, 2] : vector<1x288x128xi32> to vector<1xi32>
    %reduce_sum3A_153 = vector.shape_cast %reduce_sum3A_152 : vector<1xi32> to vector<1x1x1xi32>
    %reduce_sum3A_154 = vector.extract %reduce_sum3A_153[0, 0, 0] : i32 from vector<1x1x1xi32>
    %ge3A_155 = arith.constant 6000 : i32
    %ge3A_156 = arith.cmpi sge, %reduce_sum3A_154, %ge3A_155 : i32
    %select_n3A_157 = arith.select %ge3A_156, %or3A_146, %select_n3A_144 : i32
    %or3A_158 = arith.constant 16777216 : i32
    %or3A_159 = arith.ori %select_n3A_157, %or3A_158 : i32
    %ge3A_160 = vector.broadcast %or3A_159 : i32 to vector<288x128xi32>
    %ge3A_161 = arith.cmpi sge, %bitcast_convert_type3A, %ge3A_160 : vector<288x128xi32>
    %convert_element_type3A_162 = arith.extui %ge3A_161 : vector<288x128xi1> to vector<288x128xi32>
    %reduce_sum3A_163 = vector.shape_cast %convert_element_type3A_162 : vector<288x128xi32> to vector<1x288x128xi32>
    %reduce_sum3A_164 = arith.constant dense<0> : vector<1xi32>
    %reduce_sum3A_165 = vector.multi_reduction <add>, %reduce_sum3A_163, %reduce_sum3A_164 [1, 2] : vector<1x288x128xi32> to vector<1xi32>
    %reduce_sum3A_166 = vector.shape_cast %reduce_sum3A_165 : vector<1xi32> to vector<1x1x1xi32>
    %reduce_sum3A_167 = vector.extract %reduce_sum3A_166[0, 0, 0] : i32 from vector<1x1x1xi32>
    %ge3A_168 = arith.constant 6000 : i32
    %ge3A_169 = arith.cmpi sge, %reduce_sum3A_167, %ge3A_168 : i32
    %select_n3A_170 = arith.select %ge3A_169, %or3A_159, %select_n3A_157 : i32
    %or3A_171 = arith.constant 8388608 : i32
    %or3A_172 = arith.ori %select_n3A_170, %or3A_171 : i32
    %ge3A_173 = vector.broadcast %or3A_172 : i32 to vector<288x128xi32>
    %ge3A_174 = arith.cmpi sge, %bitcast_convert_type3A, %ge3A_173 : vector<288x128xi32>
    %convert_element_type3A_175 = arith.extui %ge3A_174 : vector<288x128xi1> to vector<288x128xi32>
    %reduce_sum3A_176 = vector.shape_cast %convert_element_type3A_175 : vector<288x128xi32> to vector<1x288x128xi32>
    %reduce_sum3A_177 = arith.constant dense<0> : vector<1xi32>
    %reduce_sum3A_178 = vector.multi_reduction <add>, %reduce_sum3A_176, %reduce_sum3A_177 [1, 2] : vector<1x288x128xi32> to vector<1xi32>
    %reduce_sum3A_179 = vector.shape_cast %reduce_sum3A_178 : vector<1xi32> to vector<1x1x1xi32>
    %reduce_sum3A_180 = vector.extract %reduce_sum3A_179[0, 0, 0] : i32 from vector<1x1x1xi32>
    %ge3A_181 = arith.constant 6000 : i32
    %ge3A_182 = arith.cmpi sge, %reduce_sum3A_180, %ge3A_181 : i32
    %select_n3A_183 = arith.select %ge3A_182, %or3A_172, %select_n3A_170 : i32
    %or3A_184 = arith.constant 4194304 : i32
    %or3A_185 = arith.ori %select_n3A_183, %or3A_184 : i32
    %ge3A_186 = vector.broadcast %or3A_185 : i32 to vector<288x128xi32>
    %ge3A_187 = arith.cmpi sge, %bitcast_convert_type3A, %ge3A_186 : vector<288x128xi32>
    %convert_element_type3A_188 = arith.extui %ge3A_187 : vector<288x128xi1> to vector<288x128xi32>
    %reduce_sum3A_189 = vector.shape_cast %convert_element_type3A_188 : vector<288x128xi32> to vector<1x288x128xi32>
    %reduce_sum3A_190 = arith.constant dense<0> : vector<1xi32>
    %reduce_sum3A_191 = vector.multi_reduction <add>, %reduce_sum3A_189, %reduce_sum3A_190 [1, 2] : vector<1x288x128xi32> to vector<1xi32>
    %reduce_sum3A_192 = vector.shape_cast %reduce_sum3A_191 : vector<1xi32> to vector<1x1x1xi32>
    %reduce_sum3A_193 = vector.extract %reduce_sum3A_192[0, 0, 0] : i32 from vector<1x1x1xi32>
    %ge3A_194 = arith.constant 6000 : i32
    %ge3A_195 = arith.cmpi sge, %reduce_sum3A_193, %ge3A_194 : i32
    %select_n3A_196 = arith.select %ge3A_195, %or3A_185, %select_n3A_183 : i32
    %or3A_197 = arith.constant 2097152 : i32
    %or3A_198 = arith.ori %select_n3A_196, %or3A_197 : i32
    %ge3A_199 = vector.broadcast %or3A_198 : i32 to vector<288x128xi32>
    %ge3A_200 = arith.cmpi sge, %bitcast_convert_type3A, %ge3A_199 : vector<288x128xi32>
    %convert_element_type3A_201 = arith.extui %ge3A_200 : vector<288x128xi1> to vector<288x128xi32>
    %reduce_sum3A_202 = vector.shape_cast %convert_element_type3A_201 : vector<288x128xi32> to vector<1x288x128xi32>
    %reduce_sum3A_203 = arith.constant dense<0> : vector<1xi32>
    %reduce_sum3A_204 = vector.multi_reduction <add>, %reduce_sum3A_202, %reduce_sum3A_203 [1, 2] : vector<1x288x128xi32> to vector<1xi32>
    %reduce_sum3A_205 = vector.shape_cast %reduce_sum3A_204 : vector<1xi32> to vector<1x1x1xi32>
    %reduce_sum3A_206 = vector.extract %reduce_sum3A_205[0, 0, 0] : i32 from vector<1x1x1xi32>
    %ge3A_207 = arith.constant 6000 : i32
    %ge3A_208 = arith.cmpi sge, %reduce_sum3A_206, %ge3A_207 : i32
    %select_n3A_209 = arith.select %ge3A_208, %or3A_198, %select_n3A_196 : i32
    %or3A_210 = arith.constant 1048576 : i32
    %or3A_211 = arith.ori %select_n3A_209, %or3A_210 : i32
    %ge3A_212 = vector.broadcast %or3A_211 : i32 to vector<288x128xi32>
    %ge3A_213 = arith.cmpi sge, %bitcast_convert_type3A, %ge3A_212 : vector<288x128xi32>
    %convert_element_type3A_214 = arith.extui %ge3A_213 : vector<288x128xi1> to vector<288x128xi32>
    %reduce_sum3A_215 = vector.shape_cast %convert_element_type3A_214 : vector<288x128xi32> to vector<1x288x128xi32>
    %reduce_sum3A_216 = arith.constant dense<0> : vector<1xi32>
    %reduce_sum3A_217 = vector.multi_reduction <add>, %reduce_sum3A_215, %reduce_sum3A_216 [1, 2] : vector<1x288x128xi32> to vector<1xi32>
    %reduce_sum3A_218 = vector.shape_cast %reduce_sum3A_217 : vector<1xi32> to vector<1x1x1xi32>
    %reduce_sum3A_219 = vector.extract %reduce_sum3A_218[0, 0, 0] : i32 from vector<1x1x1xi32>
    %ge3A_220 = arith.constant 6000 : i32
    %ge3A_221 = arith.cmpi sge, %reduce_sum3A_219, %ge3A_220 : i32
    %select_n3A_222 = arith.select %ge3A_221, %or3A_211, %select_n3A_209 : i32
    %or3A_223 = arith.constant 524288 : i32
    %or3A_224 = arith.ori %select_n3A_222, %or3A_223 : i32
    %ge3A_225 = vector.broadcast %or3A_224 : i32 to vector<288x128xi32>
    %ge3A_226 = arith.cmpi sge, %bitcast_convert_type3A, %ge3A_225 : vector<288x128xi32>
    %convert_element_type3A_227 = arith.extui %ge3A_226 : vector<288x128xi1> to vector<288x128xi32>
    %reduce_sum3A_228 = vector.shape_cast %convert_element_type3A_227 : vector<288x128xi32> to vector<1x288x128xi32>
    %reduce_sum3A_229 = arith.constant dense<0> : vector<1xi32>
    %reduce_sum3A_230 = vector.multi_reduction <add>, %reduce_sum3A_228, %reduce_sum3A_229 [1, 2] : vector<1x288x128xi32> to vector<1xi32>
    %reduce_sum3A_231 = vector.shape_cast %reduce_sum3A_230 : vector<1xi32> to vector<1x1x1xi32>
    %reduce_sum3A_232 = vector.extract %reduce_sum3A_231[0, 0, 0] : i32 from vector<1x1x1xi32>
    %ge3A_233 = arith.constant 6000 : i32
    %ge3A_234 = arith.cmpi sge, %reduce_sum3A_232, %ge3A_233 : i32
    %select_n3A_235 = arith.select %ge3A_234, %or3A_224, %select_n3A_222 : i32
    %or3A_236 = arith.constant 262144 : i32
    %or3A_237 = arith.ori %select_n3A_235, %or3A_236 : i32
    %ge3A_238 = vector.broadcast %or3A_237 : i32 to vector<288x128xi32>
    %ge3A_239 = arith.cmpi sge, %bitcast_convert_type3A, %ge3A_238 : vector<288x128xi32>
    %convert_element_type3A_240 = arith.extui %ge3A_239 : vector<288x128xi1> to vector<288x128xi32>
    %reduce_sum3A_241 = vector.shape_cast %convert_element_type3A_240 : vector<288x128xi32> to vector<1x288x128xi32>
    %reduce_sum3A_242 = arith.constant dense<0> : vector<1xi32>
    %reduce_sum3A_243 = vector.multi_reduction <add>, %reduce_sum3A_241, %reduce_sum3A_242 [1, 2] : vector<1x288x128xi32> to vector<1xi32>
    %reduce_sum3A_244 = vector.shape_cast %reduce_sum3A_243 : vector<1xi32> to vector<1x1x1xi32>
    %reduce_sum3A_245 = vector.extract %reduce_sum3A_244[0, 0, 0] : i32 from vector<1x1x1xi32>
    %ge3A_246 = arith.constant 6000 : i32
    %ge3A_247 = arith.cmpi sge, %reduce_sum3A_245, %ge3A_246 : i32
    %select_n3A_248 = arith.select %ge3A_247, %or3A_237, %select_n3A_235 : i32
    %or3A_249 = arith.constant 131072 : i32
    %or3A_250 = arith.ori %select_n3A_248, %or3A_249 : i32
    %ge3A_251 = vector.broadcast %or3A_250 : i32 to vector<288x128xi32>
    %ge3A_252 = arith.cmpi sge, %bitcast_convert_type3A, %ge3A_251 : vector<288x128xi32>
    %convert_element_type3A_253 = arith.extui %ge3A_252 : vector<288x128xi1> to vector<288x128xi32>
    %reduce_sum3A_254 = vector.shape_cast %convert_element_type3A_253 : vector<288x128xi32> to vector<1x288x128xi32>
    %reduce_sum3A_255 = arith.constant dense<0> : vector<1xi32>
    %reduce_sum3A_256 = vector.multi_reduction <add>, %reduce_sum3A_254, %reduce_sum3A_255 [1, 2] : vector<1x288x128xi32> to vector<1xi32>
    %reduce_sum3A_257 = vector.shape_cast %reduce_sum3A_256 : vector<1xi32> to vector<1x1x1xi32>
    %reduce_sum3A_258 = vector.extract %reduce_sum3A_257[0, 0, 0] : i32 from vector<1x1x1xi32>
    %ge3A_259 = arith.constant 6000 : i32
    %ge3A_260 = arith.cmpi sge, %reduce_sum3A_258, %ge3A_259 : i32
    %select_n3A_261 = arith.select %ge3A_260, %or3A_250, %select_n3A_248 : i32
    %or3A_262 = arith.constant 65536 : i32
    %or3A_263 = arith.ori %select_n3A_261, %or3A_262 : i32
    %ge3A_264 = vector.broadcast %or3A_263 : i32 to vector<288x128xi32>
    %ge3A_265 = arith.cmpi sge, %bitcast_convert_type3A, %ge3A_264 : vector<288x128xi32>
    %convert_element_type3A_266 = arith.extui %ge3A_265 : vector<288x128xi1> to vector<288x128xi32>
    %reduce_sum3A_267 = vector.shape_cast %convert_element_type3A_266 : vector<288x128xi32> to vector<1x288x128xi32>
    %reduce_sum3A_268 = arith.constant dense<0> : vector<1xi32>
    %reduce_sum3A_269 = vector.multi_reduction <add>, %reduce_sum3A_267, %reduce_sum3A_268 [1, 2] : vector<1x288x128xi32> to vector<1xi32>
    %reduce_sum3A_270 = vector.shape_cast %reduce_sum3A_269 : vector<1xi32> to vector<1x1x1xi32>
    %reduce_sum3A_271 = vector.extract %reduce_sum3A_270[0, 0, 0] : i32 from vector<1x1x1xi32>
    %ge3A_272 = arith.constant 6000 : i32
    %ge3A_273 = arith.cmpi sge, %reduce_sum3A_271, %ge3A_272 : i32
    %select_n3A_274 = arith.select %ge3A_273, %or3A_263, %select_n3A_261 : i32
    %or3A_275 = arith.constant 32768 : i32
    %or3A_276 = arith.ori %select_n3A_274, %or3A_275 : i32
    %ge3A_277 = vector.broadcast %or3A_276 : i32 to vector<288x128xi32>
    %ge3A_278 = arith.cmpi sge, %bitcast_convert_type3A, %ge3A_277 : vector<288x128xi32>
    %convert_element_type3A_279 = arith.extui %ge3A_278 : vector<288x128xi1> to vector<288x128xi32>
    %reduce_sum3A_280 = vector.shape_cast %convert_element_type3A_279 : vector<288x128xi32> to vector<1x288x128xi32>
    %reduce_sum3A_281 = arith.constant dense<0> : vector<1xi32>
    %reduce_sum3A_282 = vector.multi_reduction <add>, %reduce_sum3A_280, %reduce_sum3A_281 [1, 2] : vector<1x288x128xi32> to vector<1xi32>
    %reduce_sum3A_283 = vector.shape_cast %reduce_sum3A_282 : vector<1xi32> to vector<1x1x1xi32>
    %reduce_sum3A_284 = vector.extract %reduce_sum3A_283[0, 0, 0] : i32 from vector<1x1x1xi32>
    %ge3A_285 = arith.constant 6000 : i32
    %ge3A_286 = arith.cmpi sge, %reduce_sum3A_284, %ge3A_285 : i32
    %select_n3A_287 = arith.select %ge3A_286, %or3A_276, %select_n3A_274 : i32
    %or3A_288 = arith.constant 16384 : i32
    %or3A_289 = arith.ori %select_n3A_287, %or3A_288 : i32
    %ge3A_290 = vector.broadcast %or3A_289 : i32 to vector<288x128xi32>
    %ge3A_291 = arith.cmpi sge, %bitcast_convert_type3A, %ge3A_290 : vector<288x128xi32>
    %convert_element_type3A_292 = arith.extui %ge3A_291 : vector<288x128xi1> to vector<288x128xi32>
    %reduce_sum3A_293 = vector.shape_cast %convert_element_type3A_292 : vector<288x128xi32> to vector<1x288x128xi32>
    %reduce_sum3A_294 = arith.constant dense<0> : vector<1xi32>
    %reduce_sum3A_295 = vector.multi_reduction <add>, %reduce_sum3A_293, %reduce_sum3A_294 [1, 2] : vector<1x288x128xi32> to vector<1xi32>
    %reduce_sum3A_296 = vector.shape_cast %reduce_sum3A_295 : vector<1xi32> to vector<1x1x1xi32>
    %reduce_sum3A_297 = vector.extract %reduce_sum3A_296[0, 0, 0] : i32 from vector<1x1x1xi32>
    %ge3A_298 = arith.constant 6000 : i32
    %ge3A_299 = arith.cmpi sge, %reduce_sum3A_297, %ge3A_298 : i32
    %select_n3A_300 = arith.select %ge3A_299, %or3A_289, %select_n3A_287 : i32
    %or3A_301 = arith.constant 8192 : i32
    %or3A_302 = arith.ori %select_n3A_300, %or3A_301 : i32
    %ge3A_303 = vector.broadcast %or3A_302 : i32 to vector<288x128xi32>
    %ge3A_304 = arith.cmpi sge, %bitcast_convert_type3A, %ge3A_303 : vector<288x128xi32>
    %convert_element_type3A_305 = arith.extui %ge3A_304 : vector<288x128xi1> to vector<288x128xi32>
    %reduce_sum3A_306 = vector.shape_cast %convert_element_type3A_305 : vector<288x128xi32> to vector<1x288x128xi32>
    %reduce_sum3A_307 = arith.constant dense<0> : vector<1xi32>
    %reduce_sum3A_308 = vector.multi_reduction <add>, %reduce_sum3A_306, %reduce_sum3A_307 [1, 2] : vector<1x288x128xi32> to vector<1xi32>
    %reduce_sum3A_309 = vector.shape_cast %reduce_sum3A_308 : vector<1xi32> to vector<1x1x1xi32>
    %reduce_sum3A_310 = vector.extract %reduce_sum3A_309[0, 0, 0] : i32 from vector<1x1x1xi32>
    %ge3A_311 = arith.constant 6000 : i32
    %ge3A_312 = arith.cmpi sge, %reduce_sum3A_310, %ge3A_311 : i32
    %select_n3A_313 = arith.select %ge3A_312, %or3A_302, %select_n3A_300 : i32
    %or3A_314 = arith.constant 4096 : i32
    %or3A_315 = arith.ori %select_n3A_313, %or3A_314 : i32
    %ge3A_316 = vector.broadcast %or3A_315 : i32 to vector<288x128xi32>
    %ge3A_317 = arith.cmpi sge, %bitcast_convert_type3A, %ge3A_316 : vector<288x128xi32>
    %convert_element_type3A_318 = arith.extui %ge3A_317 : vector<288x128xi1> to vector<288x128xi32>
    %reduce_sum3A_319 = vector.shape_cast %convert_element_type3A_318 : vector<288x128xi32> to vector<1x288x128xi32>
    %reduce_sum3A_320 = arith.constant dense<0> : vector<1xi32>
    %reduce_sum3A_321 = vector.multi_reduction <add>, %reduce_sum3A_319, %reduce_sum3A_320 [1, 2] : vector<1x288x128xi32> to vector<1xi32>
    %reduce_sum3A_322 = vector.shape_cast %reduce_sum3A_321 : vector<1xi32> to vector<1x1x1xi32>
    %reduce_sum3A_323 = vector.extract %reduce_sum3A_322[0, 0, 0] : i32 from vector<1x1x1xi32>
    %ge3A_324 = arith.constant 6000 : i32
    %ge3A_325 = arith.cmpi sge, %reduce_sum3A_323, %ge3A_324 : i32
    %select_n3A_326 = arith.select %ge3A_325, %or3A_315, %select_n3A_313 : i32
    %or3A_327 = arith.constant 2048 : i32
    %or3A_328 = arith.ori %select_n3A_326, %or3A_327 : i32
    %ge3A_329 = vector.broadcast %or3A_328 : i32 to vector<288x128xi32>
    %ge3A_330 = arith.cmpi sge, %bitcast_convert_type3A, %ge3A_329 : vector<288x128xi32>
    %convert_element_type3A_331 = arith.extui %ge3A_330 : vector<288x128xi1> to vector<288x128xi32>
    %reduce_sum3A_332 = vector.shape_cast %convert_element_type3A_331 : vector<288x128xi32> to vector<1x288x128xi32>
    %reduce_sum3A_333 = arith.constant dense<0> : vector<1xi32>
    %reduce_sum3A_334 = vector.multi_reduction <add>, %reduce_sum3A_332, %reduce_sum3A_333 [1, 2] : vector<1x288x128xi32> to vector<1xi32>
    %reduce_sum3A_335 = vector.shape_cast %reduce_sum3A_334 : vector<1xi32> to vector<1x1x1xi32>
    %reduce_sum3A_336 = vector.extract %reduce_sum3A_335[0, 0, 0] : i32 from vector<1x1x1xi32>
    %ge3A_337 = arith.constant 6000 : i32
    %ge3A_338 = arith.cmpi sge, %reduce_sum3A_336, %ge3A_337 : i32
    %select_n3A_339 = arith.select %ge3A_338, %or3A_328, %select_n3A_326 : i32
    %or3A_340 = arith.constant 1024 : i32
    %or3A_341 = arith.ori %select_n3A_339, %or3A_340 : i32
    %ge3A_342 = vector.broadcast %or3A_341 : i32 to vector<288x128xi32>
    %ge3A_343 = arith.cmpi sge, %bitcast_convert_type3A, %ge3A_342 : vector<288x128xi32>
    %convert_element_type3A_344 = arith.extui %ge3A_343 : vector<288x128xi1> to vector<288x128xi32>
    %reduce_sum3A_345 = vector.shape_cast %convert_element_type3A_344 : vector<288x128xi32> to vector<1x288x128xi32>
    %reduce_sum3A_346 = arith.constant dense<0> : vector<1xi32>
    %reduce_sum3A_347 = vector.multi_reduction <add>, %reduce_sum3A_345, %reduce_sum3A_346 [1, 2] : vector<1x288x128xi32> to vector<1xi32>
    %reduce_sum3A_348 = vector.shape_cast %reduce_sum3A_347 : vector<1xi32> to vector<1x1x1xi32>
    %reduce_sum3A_349 = vector.extract %reduce_sum3A_348[0, 0, 0] : i32 from vector<1x1x1xi32>
    %ge3A_350 = arith.constant 6000 : i32
    %ge3A_351 = arith.cmpi sge, %reduce_sum3A_349, %ge3A_350 : i32
    %select_n3A_352 = arith.select %ge3A_351, %or3A_341, %select_n3A_339 : i32
    %or3A_353 = arith.constant 512 : i32
    %or3A_354 = arith.ori %select_n3A_352, %or3A_353 : i32
    %ge3A_355 = vector.broadcast %or3A_354 : i32 to vector<288x128xi32>
    %ge3A_356 = arith.cmpi sge, %bitcast_convert_type3A, %ge3A_355 : vector<288x128xi32>
    %convert_element_type3A_357 = arith.extui %ge3A_356 : vector<288x128xi1> to vector<288x128xi32>
    %reduce_sum3A_358 = vector.shape_cast %convert_element_type3A_357 : vector<288x128xi32> to vector<1x288x128xi32>
    %reduce_sum3A_359 = arith.constant dense<0> : vector<1xi32>
    %reduce_sum3A_360 = vector.multi_reduction <add>, %reduce_sum3A_358, %reduce_sum3A_359 [1, 2] : vector<1x288x128xi32> to vector<1xi32>
    %reduce_sum3A_361 = vector.shape_cast %reduce_sum3A_360 : vector<1xi32> to vector<1x1x1xi32>
    %reduce_sum3A_362 = vector.extract %reduce_sum3A_361[0, 0, 0] : i32 from vector<1x1x1xi32>
    %ge3A_363 = arith.constant 6000 : i32
    %ge3A_364 = arith.cmpi sge, %reduce_sum3A_362, %ge3A_363 : i32
    %select_n3A_365 = arith.select %ge3A_364, %or3A_354, %select_n3A_352 : i32
    %or3A_366 = arith.constant 256 : i32
    %or3A_367 = arith.ori %select_n3A_365, %or3A_366 : i32
    %ge3A_368 = vector.broadcast %or3A_367 : i32 to vector<288x128xi32>
    %ge3A_369 = arith.cmpi sge, %bitcast_convert_type3A, %ge3A_368 : vector<288x128xi32>
    %convert_element_type3A_370 = arith.extui %ge3A_369 : vector<288x128xi1> to vector<288x128xi32>
    %reduce_sum3A_371 = vector.shape_cast %convert_element_type3A_370 : vector<288x128xi32> to vector<1x288x128xi32>
    %reduce_sum3A_372 = arith.constant dense<0> : vector<1xi32>
    %reduce_sum3A_373 = vector.multi_reduction <add>, %reduce_sum3A_371, %reduce_sum3A_372 [1, 2] : vector<1x288x128xi32> to vector<1xi32>
    %reduce_sum3A_374 = vector.shape_cast %reduce_sum3A_373 : vector<1xi32> to vector<1x1x1xi32>
    %reduce_sum3A_375 = vector.extract %reduce_sum3A_374[0, 0, 0] : i32 from vector<1x1x1xi32>
    %ge3A_376 = arith.constant 6000 : i32
    %ge3A_377 = arith.cmpi sge, %reduce_sum3A_375, %ge3A_376 : i32
    %select_n3A_378 = arith.select %ge3A_377, %or3A_367, %select_n3A_365 : i32
    %or3A_379 = arith.constant 128 : i32
    %or3A_380 = arith.ori %select_n3A_378, %or3A_379 : i32
    %ge3A_381 = vector.broadcast %or3A_380 : i32 to vector<288x128xi32>
    %ge3A_382 = arith.cmpi sge, %bitcast_convert_type3A, %ge3A_381 : vector<288x128xi32>
    %convert_element_type3A_383 = arith.extui %ge3A_382 : vector<288x128xi1> to vector<288x128xi32>
    %reduce_sum3A_384 = vector.shape_cast %convert_element_type3A_383 : vector<288x128xi32> to vector<1x288x128xi32>
    %reduce_sum3A_385 = arith.constant dense<0> : vector<1xi32>
    %reduce_sum3A_386 = vector.multi_reduction <add>, %reduce_sum3A_384, %reduce_sum3A_385 [1, 2] : vector<1x288x128xi32> to vector<1xi32>
    %reduce_sum3A_387 = vector.shape_cast %reduce_sum3A_386 : vector<1xi32> to vector<1x1x1xi32>
    %reduce_sum3A_388 = vector.extract %reduce_sum3A_387[0, 0, 0] : i32 from vector<1x1x1xi32>
    %ge3A_389 = arith.constant 6000 : i32
    %ge3A_390 = arith.cmpi sge, %reduce_sum3A_388, %ge3A_389 : i32
    %select_n3A_391 = arith.select %ge3A_390, %or3A_380, %select_n3A_378 : i32
    %or3A_392 = arith.constant 64 : i32
    %or3A_393 = arith.ori %select_n3A_391, %or3A_392 : i32
    %ge3A_394 = vector.broadcast %or3A_393 : i32 to vector<288x128xi32>
    %ge3A_395 = arith.cmpi sge, %bitcast_convert_type3A, %ge3A_394 : vector<288x128xi32>
    %convert_element_type3A_396 = arith.extui %ge3A_395 : vector<288x128xi1> to vector<288x128xi32>
    %reduce_sum3A_397 = vector.shape_cast %convert_element_type3A_396 : vector<288x128xi32> to vector<1x288x128xi32>
    %reduce_sum3A_398 = arith.constant dense<0> : vector<1xi32>
    %reduce_sum3A_399 = vector.multi_reduction <add>, %reduce_sum3A_397, %reduce_sum3A_398 [1, 2] : vector<1x288x128xi32> to vector<1xi32>
    %reduce_sum3A_400 = vector.shape_cast %reduce_sum3A_399 : vector<1xi32> to vector<1x1x1xi32>
    %reduce_sum3A_401 = vector.extract %reduce_sum3A_400[0, 0, 0] : i32 from vector<1x1x1xi32>
    %ge3A_402 = arith.constant 6000 : i32
    %ge3A_403 = arith.cmpi sge, %reduce_sum3A_401, %ge3A_402 : i32
    %select_n3A_404 = arith.select %ge3A_403, %or3A_393, %select_n3A_391 : i32
    %or3A_405 = arith.constant 32 : i32
    %or3A_406 = arith.ori %select_n3A_404, %or3A_405 : i32
    %ge3A_407 = vector.broadcast %or3A_406 : i32 to vector<288x128xi32>
    %ge3A_408 = arith.cmpi sge, %bitcast_convert_type3A, %ge3A_407 : vector<288x128xi32>
    %convert_element_type3A_409 = arith.extui %ge3A_408 : vector<288x128xi1> to vector<288x128xi32>
    %reduce_sum3A_410 = vector.shape_cast %convert_element_type3A_409 : vector<288x128xi32> to vector<1x288x128xi32>
    %reduce_sum3A_411 = arith.constant dense<0> : vector<1xi32>
    %reduce_sum3A_412 = vector.multi_reduction <add>, %reduce_sum3A_410, %reduce_sum3A_411 [1, 2] : vector<1x288x128xi32> to vector<1xi32>
    %reduce_sum3A_413 = vector.shape_cast %reduce_sum3A_412 : vector<1xi32> to vector<1x1x1xi32>
    %reduce_sum3A_414 = vector.extract %reduce_sum3A_413[0, 0, 0] : i32 from vector<1x1x1xi32>
    %ge3A_415 = arith.constant 6000 : i32
    %ge3A_416 = arith.cmpi sge, %reduce_sum3A_414, %ge3A_415 : i32
    %select_n3A_417 = arith.select %ge3A_416, %or3A_406, %select_n3A_404 : i32
    %or3A_418 = arith.constant 16 : i32
    %or3A_419 = arith.ori %select_n3A_417, %or3A_418 : i32
    %ge3A_420 = vector.broadcast %or3A_419 : i32 to vector<288x128xi32>
    %ge3A_421 = arith.cmpi sge, %bitcast_convert_type3A, %ge3A_420 : vector<288x128xi32>
    %convert_element_type3A_422 = arith.extui %ge3A_421 : vector<288x128xi1> to vector<288x128xi32>
    %reduce_sum3A_423 = vector.shape_cast %convert_element_type3A_422 : vector<288x128xi32> to vector<1x288x128xi32>
    %reduce_sum3A_424 = arith.constant dense<0> : vector<1xi32>
    %reduce_sum3A_425 = vector.multi_reduction <add>, %reduce_sum3A_423, %reduce_sum3A_424 [1, 2] : vector<1x288x128xi32> to vector<1xi32>
    %reduce_sum3A_426 = vector.shape_cast %reduce_sum3A_425 : vector<1xi32> to vector<1x1x1xi32>
    %reduce_sum3A_427 = vector.extract %reduce_sum3A_426[0, 0, 0] : i32 from vector<1x1x1xi32>
    %ge3A_428 = arith.constant 6000 : i32
    %ge3A_429 = arith.cmpi sge, %reduce_sum3A_427, %ge3A_428 : i32
    %select_n3A_430 = arith.select %ge3A_429, %or3A_419, %select_n3A_417 : i32
    %or3A_431 = arith.constant 8 : i32
    %or3A_432 = arith.ori %select_n3A_430, %or3A_431 : i32
    %ge3A_433 = vector.broadcast %or3A_432 : i32 to vector<288x128xi32>
    %ge3A_434 = arith.cmpi sge, %bitcast_convert_type3A, %ge3A_433 : vector<288x128xi32>
    %convert_element_type3A_435 = arith.extui %ge3A_434 : vector<288x128xi1> to vector<288x128xi32>
    %reduce_sum3A_436 = vector.shape_cast %convert_element_type3A_435 : vector<288x128xi32> to vector<1x288x128xi32>
    %reduce_sum3A_437 = arith.constant dense<0> : vector<1xi32>
    %reduce_sum3A_438 = vector.multi_reduction <add>, %reduce_sum3A_436, %reduce_sum3A_437 [1, 2] : vector<1x288x128xi32> to vector<1xi32>
    %reduce_sum3A_439 = vector.shape_cast %reduce_sum3A_438 : vector<1xi32> to vector<1x1x1xi32>
    %reduce_sum3A_440 = vector.extract %reduce_sum3A_439[0, 0, 0] : i32 from vector<1x1x1xi32>
    %ge3A_441 = arith.constant 6000 : i32
    %ge3A_442 = arith.cmpi sge, %reduce_sum3A_440, %ge3A_441 : i32
    %select_n3A_443 = arith.select %ge3A_442, %or3A_432, %select_n3A_430 : i32
    %or3A_444 = arith.constant 4 : i32
    %or3A_445 = arith.ori %select_n3A_443, %or3A_444 : i32
    %ge3A_446 = vector.broadcast %or3A_445 : i32 to vector<288x128xi32>
    %ge3A_447 = arith.cmpi sge, %bitcast_convert_type3A, %ge3A_446 : vector<288x128xi32>
    %convert_element_type3A_448 = arith.extui %ge3A_447 : vector<288x128xi1> to vector<288x128xi32>
    %reduce_sum3A_449 = vector.shape_cast %convert_element_type3A_448 : vector<288x128xi32> to vector<1x288x128xi32>
    %reduce_sum3A_450 = arith.constant dense<0> : vector<1xi32>
    %reduce_sum3A_451 = vector.multi_reduction <add>, %reduce_sum3A_449, %reduce_sum3A_450 [1, 2] : vector<1x288x128xi32> to vector<1xi32>
    %reduce_sum3A_452 = vector.shape_cast %reduce_sum3A_451 : vector<1xi32> to vector<1x1x1xi32>
    %reduce_sum3A_453 = vector.extract %reduce_sum3A_452[0, 0, 0] : i32 from vector<1x1x1xi32>
    %ge3A_454 = arith.constant 6000 : i32
    %ge3A_455 = arith.cmpi sge, %reduce_sum3A_453, %ge3A_454 : i32
    %select_n3A_456 = arith.select %ge3A_455, %or3A_445, %select_n3A_443 : i32
    %or3A_457 = arith.constant 2 : i32
    %or3A_458 = arith.ori %select_n3A_456, %or3A_457 : i32
    %ge3A_459 = vector.broadcast %or3A_458 : i32 to vector<288x128xi32>
    %ge3A_460 = arith.cmpi sge, %bitcast_convert_type3A, %ge3A_459 : vector<288x128xi32>
    %convert_element_type3A_461 = arith.extui %ge3A_460 : vector<288x128xi1> to vector<288x128xi32>
    %reduce_sum3A_462 = vector.shape_cast %convert_element_type3A_461 : vector<288x128xi32> to vector<1x288x128xi32>
    %reduce_sum3A_463 = arith.constant dense<0> : vector<1xi32>
    %reduce_sum3A_464 = vector.multi_reduction <add>, %reduce_sum3A_462, %reduce_sum3A_463 [1, 2] : vector<1x288x128xi32> to vector<1xi32>
    %reduce_sum3A_465 = vector.shape_cast %reduce_sum3A_464 : vector<1xi32> to vector<1x1x1xi32>
    %reduce_sum3A_466 = vector.extract %reduce_sum3A_465[0, 0, 0] : i32 from vector<1x1x1xi32>
    %ge3A_467 = arith.constant 6000 : i32
    %ge3A_468 = arith.cmpi sge, %reduce_sum3A_466, %ge3A_467 : i32
    %select_n3A_469 = arith.select %ge3A_468, %or3A_458, %select_n3A_456 : i32
    %or3A_470 = arith.constant 1 : i32
    %or3A_471 = arith.ori %select_n3A_469, %or3A_470 : i32
    %ge3A_472 = vector.broadcast %or3A_471 : i32 to vector<288x128xi32>
    %ge3A_473 = arith.cmpi sge, %bitcast_convert_type3A, %ge3A_472 : vector<288x128xi32>
    %convert_element_type3A_474 = arith.extui %ge3A_473 : vector<288x128xi1> to vector<288x128xi32>
    %reduce_sum3A_475 = vector.shape_cast %convert_element_type3A_474 : vector<288x128xi32> to vector<1x288x128xi32>
    %reduce_sum3A_476 = arith.constant dense<0> : vector<1xi32>
    %reduce_sum3A_477 = vector.multi_reduction <add>, %reduce_sum3A_475, %reduce_sum3A_476 [1, 2] : vector<1x288x128xi32> to vector<1xi32>
    %reduce_sum3A_478 = vector.shape_cast %reduce_sum3A_477 : vector<1xi32> to vector<1x1x1xi32>
    %reduce_sum3A_479 = vector.extract %reduce_sum3A_478[0, 0, 0] : i32 from vector<1x1x1xi32>
    %ge3A_480 = arith.constant 6000 : i32
    %ge3A_481 = arith.cmpi sge, %reduce_sum3A_479, %ge3A_480 : i32
    %select_n3A_482 = arith.select %ge3A_481, %or3A_471, %select_n3A_469 : i32
    %gt3A = vector.broadcast %select_n3A_482 : i32 to vector<288x128xi32>
    %gt3A_483 = arith.cmpi sgt, %bitcast_convert_type3A, %gt3A : vector<288x128xi32>
    %convert_element_type3A_484 = arith.extui %gt3A_483 : vector<288x128xi1> to vector<288x128xi32>
    %reduce_sum3A_485 = vector.shape_cast %convert_element_type3A_484 : vector<288x128xi32> to vector<1x288x128xi32>
    %reduce_sum3A_486 = arith.constant dense<0> : vector<1xi32>
    %reduce_sum3A_487 = vector.multi_reduction <add>, %reduce_sum3A_485, %reduce_sum3A_486 [1, 2] : vector<1x288x128xi32> to vector<1xi32>
    %reduce_sum3A_488 = vector.shape_cast %reduce_sum3A_487 : vector<1xi32> to vector<1x1x1xi32>
    %reduce_sum3A_489 = vector.extract %reduce_sum3A_488[0, 0, 0] : i32 from vector<1x1x1xi32>
    %eq3A = vector.broadcast %select_n3A_482 : i32 to vector<288x128xi32>
    %eq3A_490 = arith.cmpi eq, %bitcast_convert_type3A, %eq3A : vector<288x128xi32>
    %sub3A_491 = arith.constant 6000 : i32
    %sub3A_492 = arith.subi %sub3A_491, %reduce_sum3A_489 : i32
    %or3A_493 = arith.constant 0 : i32
    %or3A_494 = arith.constant 32768 : i32
    %or3A_495 = arith.ori %or3A_493, %or3A_494 : i32
    %ge3A_496 = vector.broadcast %or3A_495 : i32 to vector<288x128xi32>
    %ge3A_497 = arith.cmpi sge, %add3A_82, %ge3A_496 : vector<288x128xi32>
    %and3A = arith.andi %eq3A_490, %ge3A_497 : vector<288x128xi1>
    %convert_element_type3A_498 = arith.extui %and3A : vector<288x128xi1> to vector<288x128xi32>
    %reduce_sum3A_499 = vector.shape_cast %convert_element_type3A_498 : vector<288x128xi32> to vector<1x288x128xi32>
    %reduce_sum3A_500 = arith.constant dense<0> : vector<1xi32>
    %reduce_sum3A_501 = vector.multi_reduction <add>, %reduce_sum3A_499, %reduce_sum3A_500 [1, 2] : vector<1x288x128xi32> to vector<1xi32>
    %reduce_sum3A_502 = vector.shape_cast %reduce_sum3A_501 : vector<1xi32> to vector<1x1x1xi32>
    %reduce_sum3A_503 = vector.extract %reduce_sum3A_502[0, 0, 0] : i32 from vector<1x1x1xi32>
    %ge3A_504 = arith.cmpi sge, %reduce_sum3A_503, %sub3A_492 : i32
    %jit3A_505 = arith.constant 0 : i32
    %select_n3A_506 = arith.select %ge3A_504, %or3A_495, %jit3A_505 : i32
    %or3A_507 = arith.constant 16384 : i32
    %or3A_508 = arith.ori %select_n3A_506, %or3A_507 : i32
    %ge3A_509 = vector.broadcast %or3A_508 : i32 to vector<288x128xi32>
    %ge3A_510 = arith.cmpi sge, %add3A_82, %ge3A_509 : vector<288x128xi32>
    %and3A_511 = arith.andi %eq3A_490, %ge3A_510 : vector<288x128xi1>
    %convert_element_type3A_512 = arith.extui %and3A_511 : vector<288x128xi1> to vector<288x128xi32>
    %reduce_sum3A_513 = vector.shape_cast %convert_element_type3A_512 : vector<288x128xi32> to vector<1x288x128xi32>
    %reduce_sum3A_514 = arith.constant dense<0> : vector<1xi32>
    %reduce_sum3A_515 = vector.multi_reduction <add>, %reduce_sum3A_513, %reduce_sum3A_514 [1, 2] : vector<1x288x128xi32> to vector<1xi32>
    %reduce_sum3A_516 = vector.shape_cast %reduce_sum3A_515 : vector<1xi32> to vector<1x1x1xi32>
    %reduce_sum3A_517 = vector.extract %reduce_sum3A_516[0, 0, 0] : i32 from vector<1x1x1xi32>
    %ge3A_518 = arith.cmpi sge, %reduce_sum3A_517, %sub3A_492 : i32
    %select_n3A_519 = arith.select %ge3A_518, %or3A_508, %select_n3A_506 : i32
    %or3A_520 = arith.constant 8192 : i32
    %or3A_521 = arith.ori %select_n3A_519, %or3A_520 : i32
    %ge3A_522 = vector.broadcast %or3A_521 : i32 to vector<288x128xi32>
    %ge3A_523 = arith.cmpi sge, %add3A_82, %ge3A_522 : vector<288x128xi32>
    %and3A_524 = arith.andi %eq3A_490, %ge3A_523 : vector<288x128xi1>
    %convert_element_type3A_525 = arith.extui %and3A_524 : vector<288x128xi1> to vector<288x128xi32>
    %reduce_sum3A_526 = vector.shape_cast %convert_element_type3A_525 : vector<288x128xi32> to vector<1x288x128xi32>
    %reduce_sum3A_527 = arith.constant dense<0> : vector<1xi32>
    %reduce_sum3A_528 = vector.multi_reduction <add>, %reduce_sum3A_526, %reduce_sum3A_527 [1, 2] : vector<1x288x128xi32> to vector<1xi32>
    %reduce_sum3A_529 = vector.shape_cast %reduce_sum3A_528 : vector<1xi32> to vector<1x1x1xi32>
    %reduce_sum3A_530 = vector.extract %reduce_sum3A_529[0, 0, 0] : i32 from vector<1x1x1xi32>
    %ge3A_531 = arith.cmpi sge, %reduce_sum3A_530, %sub3A_492 : i32
    %select_n3A_532 = arith.select %ge3A_531, %or3A_521, %select_n3A_519 : i32
    %or3A_533 = arith.constant 4096 : i32
    %or3A_534 = arith.ori %select_n3A_532, %or3A_533 : i32
    %ge3A_535 = vector.broadcast %or3A_534 : i32 to vector<288x128xi32>
    %ge3A_536 = arith.cmpi sge, %add3A_82, %ge3A_535 : vector<288x128xi32>
    %and3A_537 = arith.andi %eq3A_490, %ge3A_536 : vector<288x128xi1>
    %convert_element_type3A_538 = arith.extui %and3A_537 : vector<288x128xi1> to vector<288x128xi32>
    %reduce_sum3A_539 = vector.shape_cast %convert_element_type3A_538 : vector<288x128xi32> to vector<1x288x128xi32>
    %reduce_sum3A_540 = arith.constant dense<0> : vector<1xi32>
    %reduce_sum3A_541 = vector.multi_reduction <add>, %reduce_sum3A_539, %reduce_sum3A_540 [1, 2] : vector<1x288x128xi32> to vector<1xi32>
    %reduce_sum3A_542 = vector.shape_cast %reduce_sum3A_541 : vector<1xi32> to vector<1x1x1xi32>
    %reduce_sum3A_543 = vector.extract %reduce_sum3A_542[0, 0, 0] : i32 from vector<1x1x1xi32>
    %ge3A_544 = arith.cmpi sge, %reduce_sum3A_543, %sub3A_492 : i32
    %select_n3A_545 = arith.select %ge3A_544, %or3A_534, %select_n3A_532 : i32
    %or3A_546 = arith.constant 2048 : i32
    %or3A_547 = arith.ori %select_n3A_545, %or3A_546 : i32
    %ge3A_548 = vector.broadcast %or3A_547 : i32 to vector<288x128xi32>
    %ge3A_549 = arith.cmpi sge, %add3A_82, %ge3A_548 : vector<288x128xi32>
    %and3A_550 = arith.andi %eq3A_490, %ge3A_549 : vector<288x128xi1>
    %convert_element_type3A_551 = arith.extui %and3A_550 : vector<288x128xi1> to vector<288x128xi32>
    %reduce_sum3A_552 = vector.shape_cast %convert_element_type3A_551 : vector<288x128xi32> to vector<1x288x128xi32>
    %reduce_sum3A_553 = arith.constant dense<0> : vector<1xi32>
    %reduce_sum3A_554 = vector.multi_reduction <add>, %reduce_sum3A_552, %reduce_sum3A_553 [1, 2] : vector<1x288x128xi32> to vector<1xi32>
    %reduce_sum3A_555 = vector.shape_cast %reduce_sum3A_554 : vector<1xi32> to vector<1x1x1xi32>
    %reduce_sum3A_556 = vector.extract %reduce_sum3A_555[0, 0, 0] : i32 from vector<1x1x1xi32>
    %ge3A_557 = arith.cmpi sge, %reduce_sum3A_556, %sub3A_492 : i32
    %select_n3A_558 = arith.select %ge3A_557, %or3A_547, %select_n3A_545 : i32
    %or3A_559 = arith.constant 1024 : i32
    %or3A_560 = arith.ori %select_n3A_558, %or3A_559 : i32
    %ge3A_561 = vector.broadcast %or3A_560 : i32 to vector<288x128xi32>
    %ge3A_562 = arith.cmpi sge, %add3A_82, %ge3A_561 : vector<288x128xi32>
    %and3A_563 = arith.andi %eq3A_490, %ge3A_562 : vector<288x128xi1>
    %convert_element_type3A_564 = arith.extui %and3A_563 : vector<288x128xi1> to vector<288x128xi32>
    %reduce_sum3A_565 = vector.shape_cast %convert_element_type3A_564 : vector<288x128xi32> to vector<1x288x128xi32>
    %reduce_sum3A_566 = arith.constant dense<0> : vector<1xi32>
    %reduce_sum3A_567 = vector.multi_reduction <add>, %reduce_sum3A_565, %reduce_sum3A_566 [1, 2] : vector<1x288x128xi32> to vector<1xi32>
    %reduce_sum3A_568 = vector.shape_cast %reduce_sum3A_567 : vector<1xi32> to vector<1x1x1xi32>
    %reduce_sum3A_569 = vector.extract %reduce_sum3A_568[0, 0, 0] : i32 from vector<1x1x1xi32>
    %ge3A_570 = arith.cmpi sge, %reduce_sum3A_569, %sub3A_492 : i32
    %select_n3A_571 = arith.select %ge3A_570, %or3A_560, %select_n3A_558 : i32
    %or3A_572 = arith.constant 512 : i32
    %or3A_573 = arith.ori %select_n3A_571, %or3A_572 : i32
    %ge3A_574 = vector.broadcast %or3A_573 : i32 to vector<288x128xi32>
    %ge3A_575 = arith.cmpi sge, %add3A_82, %ge3A_574 : vector<288x128xi32>
    %and3A_576 = arith.andi %eq3A_490, %ge3A_575 : vector<288x128xi1>
    %convert_element_type3A_577 = arith.extui %and3A_576 : vector<288x128xi1> to vector<288x128xi32>
    %reduce_sum3A_578 = vector.shape_cast %convert_element_type3A_577 : vector<288x128xi32> to vector<1x288x128xi32>
    %reduce_sum3A_579 = arith.constant dense<0> : vector<1xi32>
    %reduce_sum3A_580 = vector.multi_reduction <add>, %reduce_sum3A_578, %reduce_sum3A_579 [1, 2] : vector<1x288x128xi32> to vector<1xi32>
    %reduce_sum3A_581 = vector.shape_cast %reduce_sum3A_580 : vector<1xi32> to vector<1x1x1xi32>
    %reduce_sum3A_582 = vector.extract %reduce_sum3A_581[0, 0, 0] : i32 from vector<1x1x1xi32>
    %ge3A_583 = arith.cmpi sge, %reduce_sum3A_582, %sub3A_492 : i32
    %select_n3A_584 = arith.select %ge3A_583, %or3A_573, %select_n3A_571 : i32
    %or3A_585 = arith.constant 256 : i32
    %or3A_586 = arith.ori %select_n3A_584, %or3A_585 : i32
    %ge3A_587 = vector.broadcast %or3A_586 : i32 to vector<288x128xi32>
    %ge3A_588 = arith.cmpi sge, %add3A_82, %ge3A_587 : vector<288x128xi32>
    %and3A_589 = arith.andi %eq3A_490, %ge3A_588 : vector<288x128xi1>
    %convert_element_type3A_590 = arith.extui %and3A_589 : vector<288x128xi1> to vector<288x128xi32>
    %reduce_sum3A_591 = vector.shape_cast %convert_element_type3A_590 : vector<288x128xi32> to vector<1x288x128xi32>
    %reduce_sum3A_592 = arith.constant dense<0> : vector<1xi32>
    %reduce_sum3A_593 = vector.multi_reduction <add>, %reduce_sum3A_591, %reduce_sum3A_592 [1, 2] : vector<1x288x128xi32> to vector<1xi32>
    %reduce_sum3A_594 = vector.shape_cast %reduce_sum3A_593 : vector<1xi32> to vector<1x1x1xi32>
    %reduce_sum3A_595 = vector.extract %reduce_sum3A_594[0, 0, 0] : i32 from vector<1x1x1xi32>
    %ge3A_596 = arith.cmpi sge, %reduce_sum3A_595, %sub3A_492 : i32
    %select_n3A_597 = arith.select %ge3A_596, %or3A_586, %select_n3A_584 : i32
    %or3A_598 = arith.constant 128 : i32
    %or3A_599 = arith.ori %select_n3A_597, %or3A_598 : i32
    %ge3A_600 = vector.broadcast %or3A_599 : i32 to vector<288x128xi32>
    %ge3A_601 = arith.cmpi sge, %add3A_82, %ge3A_600 : vector<288x128xi32>
    %and3A_602 = arith.andi %eq3A_490, %ge3A_601 : vector<288x128xi1>
    %convert_element_type3A_603 = arith.extui %and3A_602 : vector<288x128xi1> to vector<288x128xi32>
    %reduce_sum3A_604 = vector.shape_cast %convert_element_type3A_603 : vector<288x128xi32> to vector<1x288x128xi32>
    %reduce_sum3A_605 = arith.constant dense<0> : vector<1xi32>
    %reduce_sum3A_606 = vector.multi_reduction <add>, %reduce_sum3A_604, %reduce_sum3A_605 [1, 2] : vector<1x288x128xi32> to vector<1xi32>
    %reduce_sum3A_607 = vector.shape_cast %reduce_sum3A_606 : vector<1xi32> to vector<1x1x1xi32>
    %reduce_sum3A_608 = vector.extract %reduce_sum3A_607[0, 0, 0] : i32 from vector<1x1x1xi32>
    %ge3A_609 = arith.cmpi sge, %reduce_sum3A_608, %sub3A_492 : i32
    %select_n3A_610 = arith.select %ge3A_609, %or3A_599, %select_n3A_597 : i32
    %or3A_611 = arith.constant 64 : i32
    %or3A_612 = arith.ori %select_n3A_610, %or3A_611 : i32
    %ge3A_613 = vector.broadcast %or3A_612 : i32 to vector<288x128xi32>
    %ge3A_614 = arith.cmpi sge, %add3A_82, %ge3A_613 : vector<288x128xi32>
    %and3A_615 = arith.andi %eq3A_490, %ge3A_614 : vector<288x128xi1>
    %convert_element_type3A_616 = arith.extui %and3A_615 : vector<288x128xi1> to vector<288x128xi32>
    %reduce_sum3A_617 = vector.shape_cast %convert_element_type3A_616 : vector<288x128xi32> to vector<1x288x128xi32>
    %reduce_sum3A_618 = arith.constant dense<0> : vector<1xi32>
    %reduce_sum3A_619 = vector.multi_reduction <add>, %reduce_sum3A_617, %reduce_sum3A_618 [1, 2] : vector<1x288x128xi32> to vector<1xi32>
    %reduce_sum3A_620 = vector.shape_cast %reduce_sum3A_619 : vector<1xi32> to vector<1x1x1xi32>
    %reduce_sum3A_621 = vector.extract %reduce_sum3A_620[0, 0, 0] : i32 from vector<1x1x1xi32>
    %ge3A_622 = arith.cmpi sge, %reduce_sum3A_621, %sub3A_492 : i32
    %select_n3A_623 = arith.select %ge3A_622, %or3A_612, %select_n3A_610 : i32
    %or3A_624 = arith.constant 32 : i32
    %or3A_625 = arith.ori %select_n3A_623, %or3A_624 : i32
    %ge3A_626 = vector.broadcast %or3A_625 : i32 to vector<288x128xi32>
    %ge3A_627 = arith.cmpi sge, %add3A_82, %ge3A_626 : vector<288x128xi32>
    %and3A_628 = arith.andi %eq3A_490, %ge3A_627 : vector<288x128xi1>
    %convert_element_type3A_629 = arith.extui %and3A_628 : vector<288x128xi1> to vector<288x128xi32>
    %reduce_sum3A_630 = vector.shape_cast %convert_element_type3A_629 : vector<288x128xi32> to vector<1x288x128xi32>
    %reduce_sum3A_631 = arith.constant dense<0> : vector<1xi32>
    %reduce_sum3A_632 = vector.multi_reduction <add>, %reduce_sum3A_630, %reduce_sum3A_631 [1, 2] : vector<1x288x128xi32> to vector<1xi32>
    %reduce_sum3A_633 = vector.shape_cast %reduce_sum3A_632 : vector<1xi32> to vector<1x1x1xi32>
    %reduce_sum3A_634 = vector.extract %reduce_sum3A_633[0, 0, 0] : i32 from vector<1x1x1xi32>
    %ge3A_635 = arith.cmpi sge, %reduce_sum3A_634, %sub3A_492 : i32
    %select_n3A_636 = arith.select %ge3A_635, %or3A_625, %select_n3A_623 : i32
    %or3A_637 = arith.constant 16 : i32
    %or3A_638 = arith.ori %select_n3A_636, %or3A_637 : i32
    %ge3A_639 = vector.broadcast %or3A_638 : i32 to vector<288x128xi32>
    %ge3A_640 = arith.cmpi sge, %add3A_82, %ge3A_639 : vector<288x128xi32>
    %and3A_641 = arith.andi %eq3A_490, %ge3A_640 : vector<288x128xi1>
    %convert_element_type3A_642 = arith.extui %and3A_641 : vector<288x128xi1> to vector<288x128xi32>
    %reduce_sum3A_643 = vector.shape_cast %convert_element_type3A_642 : vector<288x128xi32> to vector<1x288x128xi32>
    %reduce_sum3A_644 = arith.constant dense<0> : vector<1xi32>
    %reduce_sum3A_645 = vector.multi_reduction <add>, %reduce_sum3A_643, %reduce_sum3A_644 [1, 2] : vector<1x288x128xi32> to vector<1xi32>
    %reduce_sum3A_646 = vector.shape_cast %reduce_sum3A_645 : vector<1xi32> to vector<1x1x1xi32>
    %reduce_sum3A_647 = vector.extract %reduce_sum3A_646[0, 0, 0] : i32 from vector<1x1x1xi32>
    %ge3A_648 = arith.cmpi sge, %reduce_sum3A_647, %sub3A_492 : i32
    %select_n3A_649 = arith.select %ge3A_648, %or3A_638, %select_n3A_636 : i32
    %or3A_650 = arith.constant 8 : i32
    %or3A_651 = arith.ori %select_n3A_649, %or3A_650 : i32
    %ge3A_652 = vector.broadcast %or3A_651 : i32 to vector<288x128xi32>
    %ge3A_653 = arith.cmpi sge, %add3A_82, %ge3A_652 : vector<288x128xi32>
    %and3A_654 = arith.andi %eq3A_490, %ge3A_653 : vector<288x128xi1>
    %convert_element_type3A_655 = arith.extui %and3A_654 : vector<288x128xi1> to vector<288x128xi32>
    %reduce_sum3A_656 = vector.shape_cast %convert_element_type3A_655 : vector<288x128xi32> to vector<1x288x128xi32>
    %reduce_sum3A_657 = arith.constant dense<0> : vector<1xi32>
    %reduce_sum3A_658 = vector.multi_reduction <add>, %reduce_sum3A_656, %reduce_sum3A_657 [1, 2] : vector<1x288x128xi32> to vector<1xi32>
    %reduce_sum3A_659 = vector.shape_cast %reduce_sum3A_658 : vector<1xi32> to vector<1x1x1xi32>
    %reduce_sum3A_660 = vector.extract %reduce_sum3A_659[0, 0, 0] : i32 from vector<1x1x1xi32>
    %ge3A_661 = arith.cmpi sge, %reduce_sum3A_660, %sub3A_492 : i32
    %select_n3A_662 = arith.select %ge3A_661, %or3A_651, %select_n3A_649 : i32
    %or3A_663 = arith.constant 4 : i32
    %or3A_664 = arith.ori %select_n3A_662, %or3A_663 : i32
    %ge3A_665 = vector.broadcast %or3A_664 : i32 to vector<288x128xi32>
    %ge3A_666 = arith.cmpi sge, %add3A_82, %ge3A_665 : vector<288x128xi32>
    %and3A_667 = arith.andi %eq3A_490, %ge3A_666 : vector<288x128xi1>
    %convert_element_type3A_668 = arith.extui %and3A_667 : vector<288x128xi1> to vector<288x128xi32>
    %reduce_sum3A_669 = vector.shape_cast %convert_element_type3A_668 : vector<288x128xi32> to vector<1x288x128xi32>
    %reduce_sum3A_670 = arith.constant dense<0> : vector<1xi32>
    %reduce_sum3A_671 = vector.multi_reduction <add>, %reduce_sum3A_669, %reduce_sum3A_670 [1, 2] : vector<1x288x128xi32> to vector<1xi32>
    %reduce_sum3A_672 = vector.shape_cast %reduce_sum3A_671 : vector<1xi32> to vector<1x1x1xi32>
    %reduce_sum3A_673 = vector.extract %reduce_sum3A_672[0, 0, 0] : i32 from vector<1x1x1xi32>
    %ge3A_674 = arith.cmpi sge, %reduce_sum3A_673, %sub3A_492 : i32
    %select_n3A_675 = arith.select %ge3A_674, %or3A_664, %select_n3A_662 : i32
    %or3A_676 = arith.constant 2 : i32
    %or3A_677 = arith.ori %select_n3A_675, %or3A_676 : i32
    %ge3A_678 = vector.broadcast %or3A_677 : i32 to vector<288x128xi32>
    %ge3A_679 = arith.cmpi sge, %add3A_82, %ge3A_678 : vector<288x128xi32>
    %and3A_680 = arith.andi %eq3A_490, %ge3A_679 : vector<288x128xi1>
    %convert_element_type3A_681 = arith.extui %and3A_680 : vector<288x128xi1> to vector<288x128xi32>
    %reduce_sum3A_682 = vector.shape_cast %convert_element_type3A_681 : vector<288x128xi32> to vector<1x288x128xi32>
    %reduce_sum3A_683 = arith.constant dense<0> : vector<1xi32>
    %reduce_sum3A_684 = vector.multi_reduction <add>, %reduce_sum3A_682, %reduce_sum3A_683 [1, 2] : vector<1x288x128xi32> to vector<1xi32>
    %reduce_sum3A_685 = vector.shape_cast %reduce_sum3A_684 : vector<1xi32> to vector<1x1x1xi32>
    %reduce_sum3A_686 = vector.extract %reduce_sum3A_685[0, 0, 0] : i32 from vector<1x1x1xi32>
    %ge3A_687 = arith.cmpi sge, %reduce_sum3A_686, %sub3A_492 : i32
    %select_n3A_688 = arith.select %ge3A_687, %or3A_677, %select_n3A_675 : i32
    %or3A_689 = arith.constant 1 : i32
    %or3A_690 = arith.ori %select_n3A_688, %or3A_689 : i32
    %ge3A_691 = vector.broadcast %or3A_690 : i32 to vector<288x128xi32>
    %ge3A_692 = arith.cmpi sge, %add3A_82, %ge3A_691 : vector<288x128xi32>
    %and3A_693 = arith.andi %eq3A_490, %ge3A_692 : vector<288x128xi1>
    %convert_element_type3A_694 = arith.extui %and3A_693 : vector<288x128xi1> to vector<288x128xi32>
    %reduce_sum3A_695 = vector.shape_cast %convert_element_type3A_694 : vector<288x128xi32> to vector<1x288x128xi32>
    %reduce_sum3A_696 = arith.constant dense<0> : vector<1xi32>
    %reduce_sum3A_697 = vector.multi_reduction <add>, %reduce_sum3A_695, %reduce_sum3A_696 [1, 2] : vector<1x288x128xi32> to vector<1xi32>
    %reduce_sum3A_698 = vector.shape_cast %reduce_sum3A_697 : vector<1xi32> to vector<1x1x1xi32>
    %reduce_sum3A_699 = vector.extract %reduce_sum3A_698[0, 0, 0] : i32 from vector<1x1x1xi32>
    %ge3A_700 = arith.cmpi sge, %reduce_sum3A_699, %sub3A_492 : i32
    %select_n3A_701 = arith.select %ge3A_700, %or3A_690, %select_n3A_688 : i32
    %gt3A_702 = vector.broadcast %select_n3A_482 : i32 to vector<288x128xi32>
    %gt3A_703 = arith.cmpi sgt, %bitcast_convert_type3A, %gt3A_702 : vector<288x128xi32>
    %ge3A_704 = vector.broadcast %select_n3A_701 : i32 to vector<288x128xi32>
    %ge3A_705 = arith.cmpi sge, %add3A_82, %ge3A_704 : vector<288x128xi32>
    %and3A_706 = arith.andi %eq3A_490, %ge3A_705 : vector<288x128xi1>
    %or3A_707 = arith.ori %gt3A_703, %and3A_706 : vector<288x128xi1>
    %jit3A_708 = arith.constant 1.000000e+00 : f32
    %jit3A_709 = arith.constant 0.000000e+00 : f32
    %broadcast_in_dim3A = vector.broadcast %jit3A_708 : f32 to vector<288x128xf32>
    %broadcast_in_dim3A_710 = vector.broadcast %jit3A_709 : f32 to vector<288x128xf32>
    %select_n3A_711 = arith.select %or3A_707, %broadcast_in_dim3A, %broadcast_in_dim3A_710 : vector<288x128xi1>, vector<288x128xf32>
    %iota3A_712 = tpu.iota {dimensions = array<i32: 0>} : vector<288x288xi32>
    %iota3A_713 = tpu.iota {dimensions = array<i32: 1>} : vector<288x288xi32>
    %gt3A_714 = arith.cmpi sgt, %iota3A_712, %iota3A_713 : vector<288x288xi32>
    %convert_element_type3A_715 = arith.extui %gt3A_714 : vector<288x288xi1> to vector<288x288xi32>
    %convert_element_type3A_716 = arith.sitofp %convert_element_type3A_715 : vector<288x288xi32> to vector<288x288xf32>
    %iota3A_717 = tpu.iota {dimensions = array<i32: 0>} : vector<128x128xi32>
    %iota3A_718 = tpu.iota {dimensions = array<i32: 1>} : vector<128x128xi32>
    %lt3A = arith.cmpi slt, %iota3A_717, %iota3A_718 : vector<128x128xi32>
    %convert_element_type3A_719 = arith.extui %lt3A : vector<128x128xi1> to vector<128x128xi32>
    %convert_element_type3A_720 = arith.sitofp %convert_element_type3A_719 : vector<128x128xi32> to vector<128x128xf32>
    %reduce_sum3A_721 = arith.constant dense<0.000000e+00> : vector<288xf32>
    %reduce_sum3A_722 = vector.multi_reduction <add>, %select_n3A_711, %reduce_sum3A_721 [1] : vector<288x128xf32> to vector<288xf32>
    %broadcast_in_dim3A_723 = vector.shape_cast %reduce_sum3A_722 : vector<288xf32> to vector<288x1xf32>
    %dot_general3A = arith.constant dense<0.000000e+00> : vector<288x1xf32>
    %dot_general3A_724 = tpu.matmul %convert_element_type3A_716, %broadcast_in_dim3A_723, %dot_general3A {dimension_numbers = #tpu.dot_dimension_numbers<[1], [0], [0], [1], [0, 0, 1, 1], [], []>, transpose_lhs_hint = false} : vector<288x288xf32>, vector<288x1xf32>, vector<288x1xf32> -> vector<288x1xf32>
    %dot_general3A_725 = arith.constant dense<0.000000e+00> : vector<288x128xf32>
    %dot_general3A_726 = tpu.matmul %select_n3A_711, %convert_element_type3A_720, %dot_general3A_725 {dimension_numbers = #tpu.dot_dimension_numbers<[1], [0], [0], [1], [0, 0, 1, 1], [], []>, transpose_lhs_hint = false} : vector<288x128xf32>, vector<128x128xf32>, vector<288x128xf32> -> vector<288x128xf32>
    %add3A_727 = vector.broadcast %dot_general3A_724 : vector<288x1xf32> to vector<288x128xf32>
    %add3A_728 = arith.addf %add3A_727, %dot_general3A_726 : vector<288x128xf32>
    %convert_element_type3A_729 = arith.fptosi %add3A_728 : vector<288x128xf32> to vector<288x128xi32>
    %add3A_730 = arith.constant 6144 : i32
    %add3A_731 = vector.broadcast %add3A_730 : i32 to vector<288x128xi32>
    %add3A_732 = arith.addi %add3A_731, %add3A_82 : vector<288x128xi32>
    %select_n3A_733 = arith.select %or3A_707, %convert_element_type3A_729, %add3A_732 : vector<288x128xi1>, vector<288x128xi32>
    %swap3A_734 = arith.constant 0 : index
    %swap3A_735 = arith.constant 0 : index
    %swap3A_736 = vector.load %arg13[%swap3A_734, %swap3A_735] : memref<288x128xi32, #tpu.memory_space<vmem>>, vector<288x128xi32>
    tpu.vector_store %arg13[%swap3A_734, %swap3A_735], %select_n3A_733 {strides = array<i32>} : memref<288x128xi32, #tpu.memory_space<vmem>>, vector<288x128xi32>,
    return
  }
}

module attributes {stable_mosaic.version = 14 : i64} {
  func.func @_nms_body(%arg0: memref<48x128xf32, #tpu.memory_space<vmem>>, %arg1: memref<48x128xf32, #tpu.memory_space<vmem>>, %arg2: memref<48x128xf32, #tpu.memory_space<vmem>>, %arg3: memref<48x128xf32, #tpu.memory_space<vmem>>, %arg4: memref<48x128xf32, #tpu.memory_space<vmem>>, %arg5: memref<300xf32, #tpu.memory_space<smem>>, %arg6: memref<300xf32, #tpu.memory_space<smem>>, %arg7: memref<300xf32, #tpu.memory_space<smem>>, %arg8: memref<300xf32, #tpu.memory_space<smem>>, %arg9: memref<48x128xf32, #tpu.memory_space<vmem>>, %arg10: memref<48x128xf32, #tpu.memory_space<vmem>>) attributes {dimension_semantics = [], scalar_prefetch = 0 : i64, scratch_operands = 2 : i64, tpu.core_type = #tpu.core_type<tc>} {
    %iota3A = tpu.iota {dimensions = array<i32: 0>} : vector<48x128xi32>
    %mul3A = arith.constant 128 : i32
    %mul3A_0 = vector.broadcast %mul3A : i32 to vector<48x128xi32>
    %mul3A_1 = arith.muli %iota3A, %mul3A_0 : vector<48x128xi32>
    %iota3A_2 = tpu.iota {dimensions = array<i32: 1>} : vector<48x128xi32>
    %add3A = arith.addi %mul3A_1, %iota3A_2 : vector<48x128xi32>
    %lt3A = arith.constant 6000 : i32
    %lt3A_3 = vector.broadcast %lt3A : i32 to vector<48x128xi32>
    %lt3A_4 = arith.cmpi slt, %add3A, %lt3A_3 : vector<48x128xi32>
    %get3A = arith.constant 0 : index
    %get3A_5 = arith.constant 0 : index
    %get3A_6 = vector.load %arg0[%get3A, %get3A_5] : memref<48x128xf32, #tpu.memory_space<vmem>>, vector<48x128xf32>
    %jit3A = arith.constant -1.000000e+00 : f32
    %broadcast_in_dim3A = vector.broadcast %jit3A : f32 to vector<48x128xf32>
    %select_n3A = arith.select %lt3A_4, %get3A_6, %broadcast_in_dim3A : vector<48x128xi1>, vector<48x128xf32>
    %swap3A = arith.constant 0 : index
    %swap3A_7 = arith.constant 0 : index
    %swap3A_8 = vector.load %arg9[%swap3A, %swap3A_7] : memref<48x128xf32, #tpu.memory_space<vmem>>, vector<48x128xf32>
    tpu.vector_store %arg9[%swap3A, %swap3A_7], %select_n3A {strides = array<i32>} : memref<48x128xf32, #tpu.memory_space<vmem>>, vector<48x128xf32>,
    %get3A_9 = arith.constant 0 : index
    %get3A_10 = arith.constant 0 : index
    %get3A_11 = vector.load %arg1[%get3A_9, %get3A_10] : memref<48x128xf32, #tpu.memory_space<vmem>>, vector<48x128xf32>
    %get3A_12 = arith.constant 0 : index
    %get3A_13 = arith.constant 0 : index
    %get3A_14 = vector.load %arg2[%get3A_12, %get3A_13] : memref<48x128xf32, #tpu.memory_space<vmem>>, vector<48x128xf32>
    %get3A_15 = arith.constant 0 : index
    %get3A_16 = arith.constant 0 : index
    %get3A_17 = vector.load %arg3[%get3A_15, %get3A_16] : memref<48x128xf32, #tpu.memory_space<vmem>>, vector<48x128xf32>
    %get3A_18 = arith.constant 0 : index
    %get3A_19 = arith.constant 0 : index
    %get3A_20 = vector.load %arg4[%get3A_18, %get3A_19] : memref<48x128xf32, #tpu.memory_space<vmem>>, vector<48x128xf32>
    %sub3A = arith.subf %get3A_17, %get3A_11 : vector<48x128xf32>
    %sub3A_21 = arith.subf %get3A_20, %get3A_14 : vector<48x128xf32>
    %mul3A_22 = arith.mulf %sub3A, %sub3A_21 : vector<48x128xf32>
    %swap3A_23 = arith.constant 0 : index
    %swap3A_24 = arith.constant 0 : index
    %swap3A_25 = vector.load %arg10[%swap3A_23, %swap3A_24] : memref<48x128xf32, #tpu.memory_space<vmem>>, vector<48x128xf32>
    tpu.vector_store %arg10[%swap3A_23, %swap3A_24], %mul3A_22 {strides = array<i32>} : memref<48x128xf32, #tpu.memory_space<vmem>>, vector<48x128xf32>,
    %scan3A = arith.constant 0 : i32
    %scan3A_26 = arith.constant 300 : i32
    %scan3A_27 = arith.addi %scan3A, %scan3A_26 : i32
    %scan3A_28 = arith.constant 1 : i32
    scf.for %scan3A_35 = %scan3A to %scan3A_27 step %scan3A_28  : i32 {
      %swap3A_36 = arith.constant 0.000000e+00 : f32
      %swap3A_37 = arith.index_cast %scan3A_35 : i32 to index
      %swap3A_38 = memref.load %arg5[%swap3A_37] : memref<300xf32, #tpu.memory_space<smem>>
      memref.store %swap3A_36, %arg5[%swap3A_37] : memref<300xf32, #tpu.memory_space<smem>>
      %swap3A_39 = arith.constant 0.000000e+00 : f32
      %swap3A_40 = arith.index_cast %scan3A_35 : i32 to index
      %swap3A_41 = memref.load %arg6[%swap3A_40] : memref<300xf32, #tpu.memory_space<smem>>
      memref.store %swap3A_39, %arg6[%swap3A_40] : memref<300xf32, #tpu.memory_space<smem>>
      %swap3A_42 = arith.constant 0.000000e+00 : f32
      %swap3A_43 = arith.index_cast %scan3A_35 : i32 to index
      %swap3A_44 = memref.load %arg7[%swap3A_43] : memref<300xf32, #tpu.memory_space<smem>>
      memref.store %swap3A_42, %arg7[%swap3A_43] : memref<300xf32, #tpu.memory_space<smem>>
      %swap3A_45 = arith.constant 0.000000e+00 : f32
      %swap3A_46 = arith.index_cast %scan3A_35 : i32 to index
      %swap3A_47 = memref.load %arg8[%swap3A_46] : memref<300xf32, #tpu.memory_space<smem>>
      memref.store %swap3A_45, %arg8[%swap3A_46] : memref<300xf32, #tpu.memory_space<smem>>
    }
    %scan3A_29 = arith.constant 300 : i32
    %scan3A_30 = arith.constant 0 : i32
    %scan3A_31 = arith.constant 300 : i32
    %scan3A_32 = arith.addi %scan3A_30, %scan3A_31 : i32
    %scan3A_33 = arith.constant 1 : i32
    scf.for %scan3A_35 = %scan3A_30 to %scan3A_32 step %scan3A_33  : i32 {
      %get3A_36 = arith.constant 0 : index
      %get3A_37 = arith.constant 0 : index
      %get3A_38 = vector.load %arg9[%get3A_36, %get3A_37] : memref<48x128xf32, #tpu.memory_space<vmem>>, vector<48x128xf32>
      %reduce_max3A = vector.shape_cast %get3A_38 : vector<48x128xf32> to vector<1x48x128xf32>
      %reduce_max3A_39 = arith.constant dense<0xFF800000> : vector<1xf32>
      %reduce_max3A_40 = vector.multi_reduction <maximumf>, %reduce_max3A, %reduce_max3A_39 [1, 2] : vector<1x48x128xf32> to vector<1xf32>
      %reduce_max3A_41 = vector.shape_cast %reduce_max3A_40 : vector<1xf32> to vector<1x1x1xf32>
      %reduce_max3A_42 = vector.extract %reduce_max3A_41[0, 0, 0] : f32 from vector<1x1x1xf32>
      %ge3A = arith.constant 0.000000e+00 : f32
      %ge3A_43 = arith.cmpf oge, %reduce_max3A_42, %ge3A : f32
      %convert_element_type3A = arith.extui %ge3A_43 : i1 to i32
      %cond3A = arith.constant 0 : i32
      %cond3A_44 = arith.cmpi ne, %convert_element_type3A, %cond3A : i32
      scf.if %cond3A_44 {
        %eq3A = vector.broadcast %reduce_max3A_42 : f32 to vector<48x128xf32>
        %eq3A_45 = arith.cmpf oeq, %get3A_38, %eq3A : vector<48x128xf32>
        %jit3A_46 = arith.constant -1 : i32
        %broadcast_in_dim3A_47 = vector.broadcast %jit3A_46 : i32 to vector<48x128xi32>
        %select_n3A_48 = arith.select %eq3A_45, %add3A, %broadcast_in_dim3A_47 : vector<48x128xi1>, vector<48x128xi32>
        %reduce_max3A_49 = vector.shape_cast %select_n3A_48 : vector<48x128xi32> to vector<1x48x128xi32>
        %reduce_max3A_50 = arith.constant dense<-2147483648> : vector<1xi32>
        %reduce_max3A_51 = vector.multi_reduction <maxsi>, %reduce_max3A_49, %reduce_max3A_50 [1, 2] : vector<1x48x128xi32> to vector<1xi32>
        %reduce_max3A_52 = vector.shape_cast %reduce_max3A_51 : vector<1xi32> to vector<1x1x1xi32>
        %reduce_max3A_53 = vector.extract %reduce_max3A_52[0, 0, 0] : i32 from vector<1x1x1xi32>
        %jit3A_54 = arith.constant 128 : i32
        %div3A = arith.divsi %reduce_max3A_53, %jit3A_54 : i32
        %sign3A = arith.constant 0 : i32
        %sign3A_55 = arith.cmpi sgt, %reduce_max3A_53, %sign3A : i32
        %sign3A_56 = arith.extui %sign3A_55 : i1 to i32
        %sign3A_57 = arith.constant 0 : i32
        %sign3A_58 = arith.cmpi slt, %reduce_max3A_53, %sign3A_57 : i32
        %sign3A_59 = arith.extui %sign3A_58 : i1 to i32
        %sign3A_60 = arith.subi %sign3A_56, %sign3A_59 : i32
        %sign3A_61 = arith.constant 0 : i32
        %sign3A_62 = arith.cmpi sgt, %jit3A_54, %sign3A_61 : i32
        %sign3A_63 = arith.extui %sign3A_62 : i1 to i32
        %sign3A_64 = arith.constant 0 : i32
        %sign3A_65 = arith.cmpi slt, %jit3A_54, %sign3A_64 : i32
        %sign3A_66 = arith.extui %sign3A_65 : i1 to i32
        %sign3A_67 = arith.subi %sign3A_63, %sign3A_66 : i32
        %ne3A = arith.cmpi ne, %sign3A_60, %sign3A_67 : i32
        %rem3A = arith.remsi %reduce_max3A_53, %jit3A_54 : i32
        %ne3A_68 = arith.constant 0 : i32
        %ne3A_69 = arith.cmpi ne, %rem3A, %ne3A_68 : i32
        %and3A = arith.andi %ne3A, %ne3A_69 : i1
        %sub3A_70 = arith.constant 1 : i32
        %sub3A_71 = arith.subi %div3A, %sub3A_70 : i32
        %select_n3A_72 = arith.select %and3A, %sub3A_71, %div3A : i32
        %jit3A_73 = arith.constant 128 : i32
        %eq3A_74 = arith.constant 0 : i32
        %eq3A_75 = arith.cmpi eq, %jit3A_73, %eq3A_74 : i32
        %jit3A_76 = arith.constant 1 : i32
        %select_n3A_77 = arith.select %eq3A_75, %jit3A_76, %jit3A_73 : i32
        %rem3A_78 = arith.remsi %reduce_max3A_53, %select_n3A_77 : i32
        %ne3A_79 = arith.constant 0 : i32
        %ne3A_80 = arith.cmpi ne, %rem3A_78, %ne3A_79 : i32
        %lt3A_81 = arith.constant 0 : i32
        %lt3A_82 = arith.cmpi slt, %rem3A_78, %lt3A_81 : i32
        %lt3A_83 = arith.constant 0 : i32
        %lt3A_84 = arith.cmpi slt, %select_n3A_77, %lt3A_83 : i32
        %ne3A_85 = arith.xori %lt3A_82, %lt3A_84 : i1
        %and3A_86 = arith.andi %ne3A_85, %ne3A_80 : i1
        %add3A_87 = arith.addi %rem3A_78, %select_n3A_77 : i32
        %select_n3A_88 = arith.select %and3A_86, %add3A_87, %rem3A_78 : i32
        %iota3A_89 = tpu.iota {dimensions = array<i32: 1>} : vector<1x128xi32>
        %eq3A_90 = vector.broadcast %select_n3A_88 : i32 to vector<1x128xi32>
        %eq3A_91 = arith.cmpi eq, %iota3A_89, %eq3A_90 : vector<1x128xi32>
        %get3A_92 = arith.index_cast %select_n3A_72 : i32 to index
        %get3A_93 = arith.constant 0 : index
        %get3A_94 = vector.load %arg1[%get3A_92, %get3A_93] : memref<48x128xf32, #tpu.memory_space<vmem>>, vector<1x128xf32>
        %jit3A_95 = arith.constant 0.000000e+00 : f32
        %broadcast_in_dim3A_96 = vector.broadcast %jit3A_95 : f32 to vector<1x128xf32>
        %select_n3A_97 = arith.select %eq3A_91, %get3A_94, %broadcast_in_dim3A_96 : vector<1x128xi1>, vector<1x128xf32>
        %reduce_sum3A = vector.shape_cast %select_n3A_97 : vector<1x128xf32> to vector<1x1x128xf32>
        %reduce_sum3A_98 = arith.constant dense<0.000000e+00> : vector<1xf32>
        %reduce_sum3A_99 = vector.multi_reduction <add>, %reduce_sum3A, %reduce_sum3A_98 [1, 2] : vector<1x1x128xf32> to vector<1xf32>
        %reduce_sum3A_100 = vector.shape_cast %reduce_sum3A_99 : vector<1xf32> to vector<1x1x1xf32>
        %reduce_sum3A_101 = vector.extract %reduce_sum3A_100[0, 0, 0] : f32 from vector<1x1x1xf32>
        %get3A_102 = arith.index_cast %select_n3A_72 : i32 to index
        %get3A_103 = arith.constant 0 : index
        %get3A_104 = vector.load %arg2[%get3A_102, %get3A_103] : memref<48x128xf32, #tpu.memory_space<vmem>>, vector<1x128xf32>
        %jit3A_105 = arith.constant 0.000000e+00 : f32
        %broadcast_in_dim3A_106 = vector.broadcast %jit3A_105 : f32 to vector<1x128xf32>
        %select_n3A_107 = arith.select %eq3A_91, %get3A_104, %broadcast_in_dim3A_106 : vector<1x128xi1>, vector<1x128xf32>
        %reduce_sum3A_108 = vector.shape_cast %select_n3A_107 : vector<1x128xf32> to vector<1x1x128xf32>
        %reduce_sum3A_109 = arith.constant dense<0.000000e+00> : vector<1xf32>
        %reduce_sum3A_110 = vector.multi_reduction <add>, %reduce_sum3A_108, %reduce_sum3A_109 [1, 2] : vector<1x1x128xf32> to vector<1xf32>
        %reduce_sum3A_111 = vector.shape_cast %reduce_sum3A_110 : vector<1xf32> to vector<1x1x1xf32>
        %reduce_sum3A_112 = vector.extract %reduce_sum3A_111[0, 0, 0] : f32 from vector<1x1x1xf32>
        %get3A_113 = arith.index_cast %select_n3A_72 : i32 to index
        %get3A_114 = arith.constant 0 : index
        %get3A_115 = vector.load %arg3[%get3A_113, %get3A_114] : memref<48x128xf32, #tpu.memory_space<vmem>>, vector<1x128xf32>
        %jit3A_116 = arith.constant 0.000000e+00 : f32
        %broadcast_in_dim3A_117 = vector.broadcast %jit3A_116 : f32 to vector<1x128xf32>
        %select_n3A_118 = arith.select %eq3A_91, %get3A_115, %broadcast_in_dim3A_117 : vector<1x128xi1>, vector<1x128xf32>
        %reduce_sum3A_119 = vector.shape_cast %select_n3A_118 : vector<1x128xf32> to vector<1x1x128xf32>
        %reduce_sum3A_120 = arith.constant dense<0.000000e+00> : vector<1xf32>
        %reduce_sum3A_121 = vector.multi_reduction <add>, %reduce_sum3A_119, %reduce_sum3A_120 [1, 2] : vector<1x1x128xf32> to vector<1xf32>
        %reduce_sum3A_122 = vector.shape_cast %reduce_sum3A_121 : vector<1xf32> to vector<1x1x1xf32>
        %reduce_sum3A_123 = vector.extract %reduce_sum3A_122[0, 0, 0] : f32 from vector<1x1x1xf32>
        %get3A_124 = arith.index_cast %select_n3A_72 : i32 to index
        %get3A_125 = arith.constant 0 : index
        %get3A_126 = vector.load %arg4[%get3A_124, %get3A_125] : memref<48x128xf32, #tpu.memory_space<vmem>>, vector<1x128xf32>
        %jit3A_127 = arith.constant 0.000000e+00 : f32
        %broadcast_in_dim3A_128 = vector.broadcast %jit3A_127 : f32 to vector<1x128xf32>
        %select_n3A_129 = arith.select %eq3A_91, %get3A_126, %broadcast_in_dim3A_128 : vector<1x128xi1>, vector<1x128xf32>
        %reduce_sum3A_130 = vector.shape_cast %select_n3A_129 : vector<1x128xf32> to vector<1x1x128xf32>
        %reduce_sum3A_131 = arith.constant dense<0.000000e+00> : vector<1xf32>
        %reduce_sum3A_132 = vector.multi_reduction <add>, %reduce_sum3A_130, %reduce_sum3A_131 [1, 2] : vector<1x1x128xf32> to vector<1xf32>
        %reduce_sum3A_133 = vector.shape_cast %reduce_sum3A_132 : vector<1xf32> to vector<1x1x1xf32>
        %reduce_sum3A_134 = vector.extract %reduce_sum3A_133[0, 0, 0] : f32 from vector<1x1x1xf32>
        %get3A_135 = arith.constant 0 : index
        %get3A_136 = arith.constant 0 : index
        %get3A_137 = vector.load %arg1[%get3A_135, %get3A_136] : memref<48x128xf32, #tpu.memory_space<vmem>>, vector<48x128xf32>
        %max3A = vector.broadcast %reduce_sum3A_101 : f32 to vector<48x128xf32>
        %max3A_138 = arith.maximumf %get3A_137, %max3A : vector<48x128xf32>
        %get3A_139 = arith.constant 0 : index
        %get3A_140 = arith.constant 0 : index
        %get3A_141 = vector.load %arg2[%get3A_139, %get3A_140] : memref<48x128xf32, #tpu.memory_space<vmem>>, vector<48x128xf32>
        %max3A_142 = vector.broadcast %reduce_sum3A_112 : f32 to vector<48x128xf32>
        %max3A_143 = arith.maximumf %get3A_141, %max3A_142 : vector<48x128xf32>
        %get3A_144 = arith.constant 0 : index
        %get3A_145 = arith.constant 0 : index
        %get3A_146 = vector.load %arg3[%get3A_144, %get3A_145] : memref<48x128xf32, #tpu.memory_space<vmem>>, vector<48x128xf32>
        %min3A = vector.broadcast %reduce_sum3A_123 : f32 to vector<48x128xf32>
        %min3A_147 = arith.minimumf %get3A_146, %min3A : vector<48x128xf32>
        %get3A_148 = arith.constant 0 : index
        %get3A_149 = arith.constant 0 : index
        %get3A_150 = vector.load %arg4[%get3A_148, %get3A_149] : memref<48x128xf32, #tpu.memory_space<vmem>>, vector<48x128xf32>
        %min3A_151 = vector.broadcast %reduce_sum3A_134 : f32 to vector<48x128xf32>
        %min3A_152 = arith.minimumf %get3A_150, %min3A_151 : vector<48x128xf32>
        %sub3A_153 = arith.subf %min3A_147, %max3A_138 : vector<48x128xf32>
        %max3A_154 = arith.constant 0.000000e+00 : f32
        %max3A_155 = vector.broadcast %max3A_154 : f32 to vector<48x128xf32>
        %max3A_156 = arith.maximumf %sub3A_153, %max3A_155 : vector<48x128xf32>
        %sub3A_157 = arith.subf %min3A_152, %max3A_143 : vector<48x128xf32>
        %max3A_158 = arith.constant 0.000000e+00 : f32
        %max3A_159 = vector.broadcast %max3A_158 : f32 to vector<48x128xf32>
        %max3A_160 = arith.maximumf %sub3A_157, %max3A_159 : vector<48x128xf32>
        %mul3A_161 = arith.mulf %max3A_156, %max3A_160 : vector<48x128xf32>
        %sub3A_162 = arith.subf %reduce_sum3A_123, %reduce_sum3A_101 : f32
        %sub3A_163 = arith.subf %reduce_sum3A_134, %reduce_sum3A_112 : f32
        %mul3A_164 = arith.mulf %sub3A_162, %sub3A_163 : f32
        %get3A_165 = arith.constant 0 : index
        %get3A_166 = arith.constant 0 : index
        %get3A_167 = vector.load %arg10[%get3A_165, %get3A_166] : memref<48x128xf32, #tpu.memory_space<vmem>>, vector<48x128xf32>
        %add3A_168 = vector.broadcast %mul3A_164 : f32 to vector<48x128xf32>
        %add3A_169 = arith.addf %add3A_168, %get3A_167 : vector<48x128xf32>
        %sub3A_170 = arith.subf %add3A_169, %mul3A_161 : vector<48x128xf32>
        %max3A_171 = arith.constant 9.99999993E-9 : f32
        %max3A_172 = vector.broadcast %max3A_171 : f32 to vector<48x128xf32>
        %max3A_173 = arith.maximumf %sub3A_170, %max3A_172 : vector<48x128xf32>
        %mul3A_174 = arith.constant 0.699999988 : f32
        %mul3A_175 = vector.broadcast %mul3A_174 : f32 to vector<48x128xf32>
        %mul3A_176 = arith.mulf %mul3A_175, %max3A_173 : vector<48x128xf32>
        %gt3A = arith.cmpf ogt, %mul3A_161, %mul3A_176 : vector<48x128xf32>
        %jit3A_177 = arith.constant -1.000000e+00 : f32
        %broadcast_in_dim3A_178 = vector.broadcast %jit3A_177 : f32 to vector<48x128xf32>
        %select_n3A_179 = arith.select %gt3A, %broadcast_in_dim3A_178, %get3A_38 : vector<48x128xi1>, vector<48x128xf32>
        %swap3A_180 = arith.constant 0 : index
        %swap3A_181 = arith.constant 0 : index
        %swap3A_182 = vector.load %arg9[%swap3A_180, %swap3A_181] : memref<48x128xf32, #tpu.memory_space<vmem>>, vector<48x128xf32>
        tpu.vector_store %arg9[%swap3A_180, %swap3A_181], %select_n3A_179 {strides = array<i32>} : memref<48x128xf32, #tpu.memory_space<vmem>>, vector<48x128xf32>,
        %swap3A_183 = arith.index_cast %scan3A_35 : i32 to index
        %swap3A_184 = memref.load %arg5[%swap3A_183] : memref<300xf32, #tpu.memory_space<smem>>
        memref.store %reduce_sum3A_101, %arg5[%swap3A_183] : memref<300xf32, #tpu.memory_space<smem>>
        %swap3A_185 = arith.index_cast %scan3A_35 : i32 to index
        %swap3A_186 = memref.load %arg6[%swap3A_185] : memref<300xf32, #tpu.memory_space<smem>>
        memref.store %reduce_sum3A_112, %arg6[%swap3A_185] : memref<300xf32, #tpu.memory_space<smem>>
        %swap3A_187 = arith.index_cast %scan3A_35 : i32 to index
        %swap3A_188 = memref.load %arg7[%swap3A_187] : memref<300xf32, #tpu.memory_space<smem>>
        memref.store %reduce_sum3A_123, %arg7[%swap3A_187] : memref<300xf32, #tpu.memory_space<smem>>
        %swap3A_189 = arith.index_cast %scan3A_35 : i32 to index
        %swap3A_190 = memref.load %arg8[%swap3A_189] : memref<300xf32, #tpu.memory_space<smem>>
        memref.store %reduce_sum3A_134, %arg8[%swap3A_189] : memref<300xf32, #tpu.memory_space<smem>>
      } else {
      }
    }
    %scan3A_34 = arith.constant 300 : i32
    return
  }
}

</mosaic_0001>

<sc_bundles>
// kernel: kernel.6.cloned.1.call-start
scs
__scs_entry_jumppad:
0x0: {  	(pc) =	sbr.rel $0x88, $3  }
0x1: {  	(tag) =	ssettag $0x0;
	lr =	simm.s32 $0x1  }
0x2: {  	[smem:$0x3F99] =	sst lr;
	_ =	strace $0xD0000000  }
0x3: {  	_ = 	snop  }
0x4: {  	_ = 	snop  }
0x5: {  	_ = 	snop  }
0x6: {  	_ = 	snop  }
0x7: {  	_ = 	snop  }
__scs_overlays_trampoline_lowered:
0x8: {  	[smem:$0x3FA8] =	sst s0  }
0x9: {  	[smem:$0x3FA9] =	sst s1  }
0xa: {  	[smem:$0x3FAA] =	sst s2  }
0xb: {  	[smem:$0x3FAB] =	sst s3  }
0xc: {  	[smem:$0x3FAC] =	sst s4  }
0xd: {  	[smem:$0x3FAD] =	sst s5  }
0xe: {  	[smem:$0x3FAE] =	sst s6  }
0xf: {  	[smem:$0x3FAF] =	sst s7  }
0x10: {  	[smem:$0x3FB0] =	sst s8  }
0x11: {  	[smem:$0x3FB1] =	sst s9;
	s0 =	simm.s32 @!p0 $0x0  }
0x12: {  	s1 =	sld [smem:$0x3F97];
	s0 =	simm.s32 @p0 $0x1  }
0x13: {  	[smem:$0x3FB2] =	sst s0;
	s0 =	simm.s32 @!p1 $0x0  }
0x14: {  	s2 =	sld [smem:$0x3F96];
	s0 =	simm.s32 @p1 $0x1  }
0x15: {  	[smem:$0x3FB3] =	sst s0;
	s0 =	simm.s32 @!p2 $0x0  }
0x16: {  	s3 =	sld [smem:$0x3FDB];
	s0 =	simm.s32 @p2 $0x1  }
0x17: {  	s4 =	simm.s32 $0x1BF5;
	[smem:$0x3FB5] =	sst s0  }
0x18: {  	s0 =	sld [smem:$0x3F98];
	_ =	swait.ge [sflag:s4], $0x0  }
0x19: {  	s7 =	sld [smem:$0x3F99]  }
0x1a: {  	s8 =	sadd.s32 $0xFFFFE003, lr  }
0x1b: {  	s9 =	sadd.s32 $0xFFFFFEF7, lr;
	s5 =	simm.s32 $0xFFFFFFFF;
	p2 =	slt.u32 s8, $0xFFFFF086  }
0x1c: {  	p1 =	slt.u32 s9, $0xF7A;
	s5 =	simm.s32 @!p2 $0x0  }
0x1d: {  	s5 =	simm.s32 @p1 $0x1;
	p0 =	seq.s32 s7, s2  }
0x1e: {  	s7 =	smul.u32 @!p0 $0xF7A, s2;
	p2 =	seq.s32 @!p0 s5, $0x0  }
0x1f: {  	s9 =	smul.u32 $0xF7A, s1;
	s8 =	simm.s32 @!p0 $0x1BF5;
	p2 =	por !p2, p0  }
0x20: {  	[sflag:s8] =	ssyncset.s32 @!p0 $0xFFFFF086;
	s6 =	sadd.s32 @!p0 s3, s7;
	s7 =	simm.s32 @!p0 $0x108  }
0x21: {  	s3 =	sadd.s32 s3, s9;
	s6 =	sadd.s32 @!p0 $0x88, s6;
	s7 =	simm.s32 @p2 $0x1082  }
0x22: {  	[simem:s7], [sflag:s8] =	dma.local @!p0 [hbm:s6], $0xF7A  }
0x23: {  	s9 =	sor.u32 $0xD0000000, s2;
	s6 =	simm.s32 $0x108;
	_ =	swait.ge @!p0 [sflag:s8], $0x0  }
0x24: {  	s3 =	sadd.s32 $0x88, s3;
	s6 =	simm.s32 @!p1 $0x1082;
	[sflag:s4] =	ssyncset.s32 $0xFFFFF086  }
0x25: {  	[simem:s6], [sflag:s4] =	dma.local [hbm:s3], $0xF7A  }
0x26: {  	[smem:$0x3F99] =	sst s1;
	(tag) =	ssettag s2;
	_ =	strace s9  }
0x27: {  	s1 =	sld [smem:$0x3FA9]  }
0x28: {  	s2 =	sld [smem:$0x3FAA]  }
0x29: {  	s4 =	sld [smem:$0x3FAC]  }
0x2a: {  	p0 =	seq.s32 s5, $0x0;
	s5 =	sld [smem:$0x3FAD]  }
0x2b: {  	s6 =	sld [smem:$0x3FAE]  }
0x2c: {  	s7 =	sld [smem:$0x3FAF]  }
0x2d: {  	s3 =	simm.s32 $0x108;
	s8 =	sld [smem:$0x3FB0]  }
0x2e: {  	s3 =	simm.s32 @!p0 $0x1082;
	s9 =	sld [smem:$0x3FB1]  }
0x2f: {  	lr =	sadd.s32 s0, s3;
	s0 =	sld [smem:$0x3FA8]  }
0x30: {  	s3 =	sld [smem:$0x3FAB]  }
0x31: {  	[smem:$0x3FB4] =	sst s10  }
0x32: {  	s10 =	sld [smem:$0x3FB2];
	_ =	sdelay $0x3  }
0x33: {  	p0 =	seq.s32 s10, $0x1;
	s10 =	sld [smem:$0x3FB4];
	_ =	sdelay $0x3  }
0x34: {  	[smem:$0x3FB4] =	sst s10  }
0x35: {  	s10 =	sld [smem:$0x3FB3];
	_ =	sdelay $0x3  }
0x36: {  	p1 =	seq.s32 s10, $0x1;
	s10 =	sld [smem:$0x3FB4];
	_ =	sdelay $0x3  }
0x37: {  	[smem:$0x3FB4] =	sst s10  }
0x38: {  	s10 =	sld [smem:$0x3FB5]  }
0x39: {  	_ = 	snop;
	(pc) =	sbr.ind lr, $3  }
0x3a: {  	_ = 	snop  }
0x3b: {  	_ = 	snop  }
0x3c: {  	p2 =	seq.s32 s10, $0x1;
	s10 =	sld [smem:$0x3FB4]  }
0x3d: {  	_ =	shalt  }
0x3e: {  	_ =	shalt  }
0x3f: {  	_ =	shalt  }
0x40: {  	_ =	shalt  }
0x41: {  	_ =	shalt  }
0x42: {  	_ =	shalt  }
0x43: {  	_ =	shalt  }
0x44: {  	_ =	shalt  }
0x45: {  	_ =	shalt  }
0x46: {  	_ =	shalt  }
0x47: {  	_ =	shalt  }
0x48: {  	_ =	shalt  }
0x49: {  	_ =	shalt  }
0x4a: {  	_ =	shalt  }
0x4b: {  	_ =	shalt  }
0x4c: {  	_ =	shalt  }
0x4d: {  	_ =	shalt  }
0x4e: {  	_ =	shalt  }
0x4f: {  	_ =	shalt  }
0x50: {  	_ =	shalt  }
0x51: {  	_ =	shalt  }
0x52: {  	_ =	shalt  }
0x53: {  	_ =	shalt  }
0x54: {  	_ =	shalt  }
0x55: {  	_ =	shalt  }
0x56: {  	_ =	shalt  }
0x57: {  	_ =	shalt  }
0x58: {  	_ =	shalt  }
0x59: {  	_ =	shalt  }
0x5a: {  	_ =	shalt  }
0x5b: {  	_ =	shalt  }
0x5c: {  	_ =	shalt  }
0x5d: {  	_ =	shalt  }
0x5e: {  	_ =	shalt  }
0x5f: {  	_ =	shalt  }
0x60: {  	_ =	shalt  }
0x61: {  	_ =	shalt  }
0x62: {  	_ =	shalt  }
0x63: {  	_ =	shalt  }
0x64: {  	_ =	shalt  }
0x65: {  	_ =	shalt  }
0x66: {  	_ =	shalt  }
0x67: {  	_ =	shalt  }
0x68: {  	_ =	shalt  }
0x69: {  	_ =	shalt  }
0x6a: {  	_ =	shalt  }
0x6b: {  	_ =	shalt  }
0x6c: {  	_ =	shalt  }
0x6d: {  	_ =	shalt  }
0x6e: {  	_ =	shalt  }
0x6f: {  	_ =	shalt  }
0x70: {  	_ =	shalt  }
0x71: {  	_ =	shalt  }
0x72: {  	_ =	shalt  }
0x73: {  	_ =	shalt  }
0x74: {  	_ =	shalt  }
0x75: {  	_ =	shalt  }
0x76: {  	_ =	shalt  }
0x77: {  	_ =	shalt  }
0x78: {  	_ =	shalt  }
0x79: {  	_ =	shalt  }
0x7a: {  	_ =	shalt  }
0x7b: {  	_ =	shalt  }
0x7c: {  	_ =	shalt  }
0x7d: {  	_ =	shalt  }
0x7e: {  	_ =	shalt  }
0x7f: {  	_ =	shalt  }
0x80: {  	_ =	shalt  }
0x81: {  	_ =	shalt  }
0x82: {  	_ =	shalt  }
0x83: {  	_ =	shalt  }
0x84: {  	_ =	shalt  }
0x85: {  	_ =	shalt  }
0x86: {  	_ =	shalt  }
0x87: {  	_ =	shalt  }
.Lfunc_end0:
.L_simem_size_0:
called_computation_lowered:
.L_overlay_start_0:
0x88: {  	s2 =	sld [smem:$0x3FD9]  }
0x89: {  	s3 =	sld [smem:$0x3FFE];
	_ =	sdelay $0x1  }
0x8a: {  	s1 =	srdreg.scid  }
0x8b: {  	s0 =	sand.u32 $0x1, s1  }
0x8c: {  	s16 =	sshll.u32 s0, $0xA;
	s2 =	sadd.s32 s3, s2  }
0x8d: {  	s2 =	sadd.s32 s2, s16  }
0x8e: {  	[smem:$0x3FC0] =	sst s2  }
0x8f: {  	_ = 	snop  }
0x90: {  	(tm) =	ssettm $0x1  }
0x91: {  	s17 =	sld [smem:$0x3FFB];
	_ =	sdelay $0x3  }
0x92: {  	_ =	strace s17  }
0x93: {  	s2 =	sld [smem:$0x3FFC];
	_ =	sdelay $0x3  }
0x94: {  	_ =	strace s2  }
0x95: {  	s2 =	sld [smem:$0x3FFD];
	_ =	sdelay $0x3  }
0x96: {  	_ =	strace s2  }
0x97: {  	_ =	strace $0x8FFFFFFF  }
0x98: {  	s18 =	sld [smem:$0x3FDB];
	_ =	sdelay $0x1  }
0x99: {  	s19 =	simm.s32 $_scs_section_size  }
0x9a: {  	s4 =	simm.s32 $_size__tile_overlayer_lowered;
	s5 =	simm.s32 $_tile_overlayer_lowered  }
0x9b: {  	s22 =	simm.s32 $0x1BFF;
	s21 =	sshll.u32 s5, $0x1;
	s2 =	sadd.s32 s19, s18  }
0x9c: {  	s6 =	simm.s32 $0x0;
	s20 =	sshll.u32 s4, $0x1;
	s4 =	sadd.s32 s21, s2  }
0x9d: {  	[timem:s6], [sflag:s22] =	dma.local [hbm:s4], s20  }
0x9e: {  	_ =	swait.ge [sflag:s22], s20  }
0x9f: {  	s3 =	ssub.s32 $0x0, s20;
	[sflag:s22] =	ssyncset.done $0x0  }
0xa0: {  	[sflag:s22] =	ssyncadd.s32 s3;
	_ =	sdelay $0x1  }
0xa1: {  	s23 =	simm.s32 $0x1B8B  }
0xa2: {  	_ =	swait.ge [sflag:s23], $0x1  }
0xa3: {  	[sflag:s23] =	ssyncset.done $0x0  }
0xa4: {  	s25 =	simm.s32 $0x1B8E;
	s24 =	sld [smem:$0x3FFE];
	[sflag:s23] =	ssyncadd.s32 $0xFFFFFFFF  }
0xa5: {  	s26 =	simm.s32 $execute0_lowered;
	[smem:$0x3FD2] =	sst s25  }
0xa6: {  	s4 =	sshll.u32 s26, $0x1;
	_ =	strace $0x80000046;
	[dreg:$0x1] =	wrdreg $0xFFFFFFFF  }
0xa7: {  	s28 =	simm.s32 $_size_execute0_lowered;
	s2 =	sadd.s32 s2, s4;
	[dreg:$0x0] =	wrdreg $0x0  }
0xa8: {  	s4 =	sshll.u32 s28, $0x1;
	[dreg:$0x2] =	wrdreg s2  }
0xa9: {  	[dreg:$0x3] =	wrdreg s4  }
0xaa: {  	[dreg:$0x4] =	wrdreg $0xC0  }
0xab: {  	_ =	task [dreg:s6], $0x5FFFF  }
0xac: {  	[dreg:$0x1] =	wrdreg $0xFFFFFFFF  }
0xad: {  	[dreg:$0x0] =	wrdreg $0x60  }
0xae: {  	[dreg:$0x2] =	wrdreg s24  }
0xaf: {  	[dreg:$0x3] =	wrdreg $0x9  }
0xb0: {  	_ =	task.clear_ibuf [dreg:s6], $0x4FFFF;
	_ =	strace $0x90000046  }
0xb1: {  	s29 =	simm.s32 $0x9;
	_ =	strace $0x80000048  }
0xb2: {  	_ =	swait.ge [sflag:s29], $0x1  }
0xb3: {  	[sflag:s29] =	ssyncadd.s32 $0xFFFFFFFF  }
0xb4: {  	_ =	strace $0x90000048  }
0xb5: {  	_ =	sfence  }
0xb6: {  	s30 =	sld [smem:$0x0];
	_ =	sdelay $0x2  }
0xb7: {  	s31 =	sshll.u32 s1, $0xD;
	s1 =	sshrl.u32 s1, $0x2  }
0xb8: {  	s3 =	sand.u32 $0x4000, s31;
	s1 =	sadd.s32 s1, s30  }
0xb9: {  	s0 =	sor.u32 s3, s0;
	s1 =	sshll.u32 s1, $0x11  }
0xba: {  	s0 =	sor.u32 s1, s0  }
0xbb: {  	s0 =	sadd.s32 $0x8F2B, s0  }
0xbc: {  	[sflag:s0] =	ssyncadd.remote.s32 $0x1  }
0xbd: {  	_ =	sfence.sel $0xFFFF  }
0xbe: {  	[dreg:$0x0] =	wrdreg $0xFFFFFFFF;
	(pc) =	sbr.abs _section_cstart, $3  }
0xbf: {  	[dreg:$0x1] =	wrdreg $0xFFFFFFFF  }
0xc0: {  	_ =	task.clear_ibuf [dreg:s6], $0x2FFFF;
	_ =	strace $0x9FFFFFFF  }
0xc1: {  	(tm) =	ssettm $0x7FFFFFFF  }
tec
execute0_lowered:
.L_overlay_start_1:
0x0: {  	(tag) =	ssettag $0x1  }
0x1: {  	s1 =	srdreg.scid;
	s0 =	stileid.u32  }
0x2: {  	s21 =	sand.u32 $0x1, s1;
	s31 =	sshll.u32 s0, $0x1  }
0x3: {  	s1 =	sor.u32 s21, s31  }
0x4: {  	s3 =	smul.u32 $0x90, s1  }
0x5: {  	s19 =	rddreg [dreg:$0x0];
	s2 =	simm.s32 $0x0  }
0x6: {  	s4 =	simm.s32 $0x2;
	[smem:$0x7FF] =	sst s2;
	s13 =	sadd.s32 s3, s19  }
0x7: {  	s1 =	rddreg [dreg:$0x1];
	_ =	strace $0x80000047;
	s3 =	sadd.s32 $0xA00, s13  }
0x8: {  	[tilespmem:s2], [sflag:$0x2] =	stream.linear.gather [hbm4b:s3+s2], $0x480, $0x38;
	[tilespmem:$0x1B00] =	vst v63  }
0x9: {  	_ =	swait.ge [sflag:s4], $0x480  }
0xa: {  	[sflag:s4] =	ssyncset.done $0x0  }
0xb: {  	s6 =	simm.s32 $0x480;
	s5 =	sadd.s32 $0x1C00, s13;
	[sflag:s4] =	ssyncadd.s32 $0xFFFFFB80  }
0xc: {  	[tilespmem:s6], [sflag:$0x2] =	stream.linear.gather [hbm4b:s5+s2], $0x480, $0x38;
	[tilespmem:$0x1B00] =	vst v63  }
0xd: {  	_ =	swait.ge [sflag:s4], $0x480  }
0xe: {  	[sflag:s4] =	ssyncset.done $0x0  }
0xf: {  	s8 =	simm.s32 $0x900;
	s7 =	sadd.s32 $0x2E00, s13;
	[sflag:s4] =	ssyncadd.s32 $0xFFFFFB80  }
0x10: {  	[tilespmem:s8], [sflag:$0x2] =	stream.linear.gather [hbm4b:s7+s2], $0x480, $0x38;
	[tilespmem:$0x1B00] =	vst v63  }
0x11: {  	_ =	swait.ge [sflag:s4], $0x480  }
0x12: {  	[sflag:s4] =	ssyncset.done $0x0  }
0x13: {  	s10 =	simm.s32 $0xD80;
	s9 =	sadd.s32 $0x4000, s13;
	[sflag:s4] =	ssyncadd.s32 $0xFFFFFB80  }
0x14: {  	[tilespmem:s10], [sflag:$0x2] =	stream.linear.gather [hbm4b:s9+s2], $0x480, $0x38;
	[tilespmem:$0x1B00] =	vst v63  }
0x15: {  	_ =	swait.ge [sflag:s4], $0x480  }
0x16: {  	[sflag:s4] =	ssyncset.done $0x0  }
0x17: {  	s12 =	simm.s32 $0x1200;
	s11 =	sadd.s32 $0x5200, s13;
	[sflag:s4] =	ssyncadd.s32 $0xFFFFFB80  }
0x18: {  	[tilespmem:s12], [sflag:$0x2] =	stream.linear.gather [hbm4b:s11+s2], $0x480, $0x38;
	[tilespmem:$0x1B00] =	vst v63  }
0x19: {  	_ =	swait.ge [sflag:s4], $0x480  }
0x1a: {  	[sflag:s4] =	ssyncset.done $0x0  }
0x1b: {  	s14 =	simm.s32 $0x1680;
	s13 =	sadd.s32 $0x6400, s13;
	[sflag:s4] =	ssyncadd.s32 $0xFFFFFB80  }
0x1c: {  	[tilespmem:s14], [sflag:$0x2] =	stream.linear.gather [hbm4b:s13+s2], $0x480, $0x38;
	[tilespmem:$0x1B00] =	vst v63  }
0x1d: {  	_ =	swait.ge [sflag:s4], $0x480  }
0x1e: {  	[sflag:s4] =	ssyncset.done $0x0  }
0x1f: {  	s15 =	sadd.s32 $0x7600, s19;
	[sflag:s4] =	ssyncadd.s32 $0xFFFFFB80  }
0x20: {  	[hbm4b:s15+s6] =	stream.indirect.scatter [tilespmem:s2], [sflag:$0x1], $0x1, s14, s6, $0xb8;
	[tilespmem:$0x1B00] =	vst v63  }
0x21: {  	s16 =	sadd.s32 $0x8C00, s19  }
0x22: {  	[hbm4b:s16+s6] =	stream.indirect.scatter [tilespmem:s6], [sflag:$0x1], $0x1, s14, s6, $0xb8;
	[tilespmem:$0x1B00] =	vst v63  }
0x23: {  	s17 =	sadd.s32 $0xA200, s19  }
0x24: {  	[hbm4b:s17+s6] =	stream.indirect.scatter [tilespmem:s8], [sflag:$0x1], $0x1, s14, s6, $0xb8;
	[tilespmem:$0x1B00] =	vst v63  }
0x25: {  	s18 =	sadd.s32 $0xB800, s19  }
0x26: {  	[hbm4b:s18+s6] =	stream.indirect.scatter [tilespmem:s10], [sflag:$0x1], $0x1, s14, s6, $0xb8;
	[tilespmem:$0x1B00] =	vst v63  }
0x27: {  	s20 =	sadd.s32 $0xCE00, s19;
	s19 =	simm.s32 $0x1  }
0x28: {  	[hbm4b:s20+s6] =	stream.indirect.scatter [tilespmem:s12], [sflag:$0x1], $0x1, s14, s6, $0xb8;
	[tilespmem:$0x1B00] =	vst v63  }
0x29: {  	_ =	swait.ge [sflag:s19], $0x480  }
0x2a: {  	[sflag:s19] =	ssyncset.done $0x0  }
0x2b: {  	[sflag:s19] =	ssyncadd.s32 $0xFFFFFB80  }
0x2c: {  	_ =	swait.ge [sflag:s19], $0x480  }
0x2d: {  	s21 =	ssub.s32 $0x2, s21;
	[sflag:s19] =	ssyncset.done $0x0  }
0x2e: {  	s22 =	sshrl.u32 s21, $0x1;
	[sflag:s19] =	ssyncadd.s32 $0xFFFFFB80  }
0x2f: {  	s21 =	ssub.s32 s21, s22;
	_ =	swait.ge [sflag:s19], $0x480  }
0x30: {  	s21 =	smax.u32 s21, $0x1;
	[sflag:s19] =	ssyncset.done $0x0  }
0x31: {  	p0 =	sne.s32 s21, $0x1;
	[sflag:s19] =	ssyncadd.s32 $0xFFFFFB80  }
.Ltmp0:
0x32: {  	_ =	swait.ge [sflag:s19], $0x480;
	(pc) =	sbr.rel @!p0 .LBB2_2-.Ltmp0, $4  }
0x33: {  	[sflag:s19] =	ssyncset.done $0x0  }
0x34: {  	[sflag:s19] =	ssyncadd.s32 $0xFFFFFB80  }
0x35: {  	_ =	swait.ge [sflag:s19], $0x480  }
0x36: {  	s21 =	sadd.s32 $0xFFFFFFFF, s21;
	[sflag:s19] =	ssyncset.done $0x0  }
.LBB2_1:
0x37: {  	p0 =	sne.s32 s21, $0x1;
	s21 =	sadd.s32 $0xFFFFFFFF, s21;
	[sflag:s19] =	ssyncadd.s32 $0xFFFFFB80  }
0x38: {  	[tilespmem:s2], [sflag:$0x2] =	stream.linear.gather [hbm4b:s3+s2], $0x480, $0x38;
	[tilespmem:$0x1B00] =	vst v63  }
0x39: {  	_ =	swait.ge [sflag:s4], $0x480  }
0x3a: {  	[sflag:s4] =	ssyncset.done $0x0  }
0x3b: {  	[sflag:s4] =	ssyncadd.s32 $0xFFFFFB80  }
0x3c: {  	[tilespmem:s6], [sflag:$0x2] =	stream.linear.gather [hbm4b:s5+s2], $0x480, $0x38;
	[tilespmem:$0x1B00] =	vst v63  }
0x3d: {  	_ =	swait.ge [sflag:s4], $0x480  }
0x3e: {  	[sflag:s4] =	ssyncset.done $0x0  }
0x3f: {  	[sflag:s4] =	ssyncadd.s32 $0xFFFFFB80  }
0x40: {  	[tilespmem:s8], [sflag:$0x2] =	stream.linear.gather [hbm4b:s7+s2], $0x480, $0x38;
	[tilespmem:$0x1B00] =	vst v63  }
0x41: {  	_ =	swait.ge [sflag:s4], $0x480  }
0x42: {  	[sflag:s4] =	ssyncset.done $0x0  }
0x43: {  	[sflag:s4] =	ssyncadd.s32 $0xFFFFFB80  }
0x44: {  	[tilespmem:s10], [sflag:$0x2] =	stream.linear.gather [hbm4b:s9+s2], $0x480, $0x38;
	[tilespmem:$0x1B00] =	vst v63  }
0x45: {  	_ =	swait.ge [sflag:s4], $0x480  }
0x46: {  	[sflag:s4] =	ssyncset.done $0x0  }
0x47: {  	[sflag:s4] =	ssyncadd.s32 $0xFFFFFB80  }
0x48: {  	[tilespmem:s12], [sflag:$0x2] =	stream.linear.gather [hbm4b:s11+s2], $0x480, $0x38;
	[tilespmem:$0x1B00] =	vst v63  }
0x49: {  	_ =	swait.ge [sflag:s4], $0x480  }
0x4a: {  	[sflag:s4] =	ssyncset.done $0x0  }
0x4b: {  	[sflag:s4] =	ssyncadd.s32 $0xFFFFFB80  }
0x4c: {  	[tilespmem:s14], [sflag:$0x2] =	stream.linear.gather [hbm4b:s13+s2], $0x480, $0x38;
	[tilespmem:$0x1B00] =	vst v63  }
0x4d: {  	_ =	swait.ge [sflag:s4], $0x480  }
0x4e: {  	[sflag:s4] =	ssyncset.done $0x0  }
0x4f: {  	[sflag:s4] =	ssyncadd.s32 $0xFFFFFB80  }
0x50: {  	[hbm4b:s15+s6] =	stream.indirect.scatter [tilespmem:s2], [sflag:$0x1], $0x1, s14, s6, $0xb8;
	[tilespmem:$0x1B00] =	vst v63  }
0x51: {  	_ = 	snop  }
0x52: {  	[hbm4b:s16+s6] =	stream.indirect.scatter [tilespmem:s6], [sflag:$0x1], $0x1, s14, s6, $0xb8;
	[tilespmem:$0x1B00] =	vst v63  }
0x53: {  	_ = 	snop  }
0x54: {  	[hbm4b:s17+s6] =	stream.indirect.scatter [tilespmem:s8], [sflag:$0x1], $0x1, s14, s6, $0xb8;
	[tilespmem:$0x1B00] =	vst v63  }
0x55: {  	_ = 	snop  }
0x56: {  	[hbm4b:s18+s6] =	stream.indirect.scatter [tilespmem:s10], [sflag:$0x1], $0x1, s14, s6, $0xb8;
	[tilespmem:$0x1B00] =	vst v63  }
0x57: {  	_ = 	snop  }
0x58: {  	[hbm4b:s20+s6] =	stream.indirect.scatter [tilespmem:s12], [sflag:$0x1], $0x1, s14, s6, $0xb8;
	[tilespmem:$0x1B00] =	vst v63  }
0x59: {  	_ =	swait.ge [sflag:s19], $0x480  }
0x5a: {  	[sflag:s19] =	ssyncset.done $0x0  }
0x5b: {  	[sflag:s19] =	ssyncadd.s32 $0xFFFFFB80  }
0x5c: {  	_ =	swait.ge [sflag:s19], $0x480  }
0x5d: {  	[sflag:s19] =	ssyncset.done $0x0  }
0x5e: {  	[sflag:s19] =	ssyncadd.s32 $0xFFFFFB80  }
0x5f: {  	_ =	swait.ge [sflag:s19], $0x480  }
0x60: {  	[sflag:s19] =	ssyncset.done $0x0  }
0x61: {  	[sflag:s19] =	ssyncadd.s32 $0xFFFFFB80  }
.Ltmp1:
0x62: {  	_ =	swait.ge [sflag:s19], $0x480;
	(pc) =	sbr.rel @p0 .LBB2_1-.Ltmp1, $4  }
0x63: {  	[sflag:s19] =	ssyncset.done $0x0  }
0x64: {  	[sflag:s19] =	ssyncadd.s32 $0xFFFFFB80  }
0x65: {  	_ =	swait.ge [sflag:s19], $0x480  }
0x66: {  	[sflag:s19] =	ssyncset.done $0x0  }
.LBB2_2:
0x67: {  	[sflag:s19] =	ssyncadd.s32 $0xFFFFFB80  }
0x68: {  	_ =	sfence.sel $0x180000  }
0x69: {  	[bflag:$0x0] =	sbarrier.arrive $0xFFFF  }
0x6a: {  	p0 =	sne.s32 s0, $0x0;
	_ =	strace $0x90000047  }
0x6b: {  	s0 =	sadd.s32 @!p0 $0x100000, s1;
	[bflag:$0x2] =	sbarrier.arrive $0xFFFF  }
0x6c: {  	[sflag:s0] =	ssyncadd.tile.s32 @!p0 $0x1;
	_ =	shalt  }
.Lfunc_end2:
_tile_overlayer_lowered:
.L_overlay_start_2:
0x6d: {  	(tag) =	ssettag $0x2  }
0x6e: {  	s0 =	rddreg [dreg:$0x0];
	s2 =	stileid.u32  }
0x6f: {  	s1 =	rddreg [dreg:$0x1];
	p0 =	sne.s32 s2, $0x0  }
0x70: {  	s3 =	rddreg [dreg:$0x2];
	[bflag:$0x3] =	sbarrier.arrive $0xFFFF;
	s2 =	simm.s32 @!p0 $0x1C02  }
0x71: {  	[timem:s3], [sflag:s2] =	dma.local @!p0 [hbm:s0], s1  }
0x72: {  	s0 =	simm.s32 @!p0 $0x2  }
0x73: {  	_ =	swait.ge @!p0 [sflag:s0], s1  }
0x74: {  	s1 =	ssub.s32 @!p0 $0x0, s1;
	[sflag:s0] =	ssyncset.done @!p0 $0x0  }
0x75: {  	[sflag:s0] =	ssyncadd.s32 @!p0 s1  }
0x76: {  	[bflag:$0x3] =	sbarrier.arrive $0xFFFF  }
0x77: {  	_ =	shalt  }

</sc_bundles>
